<compile_context>
chip_gen: v7x
topology: tpu7x:2x2x1
jax: 0.10.2.dev20260603
libtpu: 0.0.44.dev20260713+nightly
codegen_flags: <defaults>
</compile_context>

<pallas_src>
import functools

import jax
import jax.numpy as jnp
from jax import lax
from jax.experimental import pallas as pl
from jax.experimental.pallas import tpu as pltpu
from jax.experimental.pallas import tpu_sc as plsc

_LANES = 128


def _log_softmax_table_kernel(I, u_ref, it_ref, out_ref):
    u = u_ref[...]
    it = it_ref[...]
    util = lax.dot_general(u, it, (((1,), (1,)), ((), ())),
                           preferred_element_type=jnp.float32)
    col = lax.broadcasted_iota(jnp.int32, util.shape, 1)
    util = jnp.where(col < I, util, -jnp.inf)
    m = jnp.max(util, axis=1, keepdims=True)
    e = jnp.exp(util - m)
    lse = m + jnp.log(jnp.sum(e, axis=1, keepdims=True))
    out_ref[...] = util - lse


@functools.cache
def _make_expand(U, I, Ipad, B):
    info = plsc.get_sparse_core_info()
    NC, NS = info.num_cores, info.num_subcores
    NW = NC * NS
    SPW = B // NW
    assert B % NW == 0
    C = 32
    n_chunks = SPW // C
    assert SPW % C == 0 and n_chunks % 2 == 0
    MAIN = Ipad - _LANES
    TAIL = I - MAIN
    assert 0 < TAIL <= _LANES and MAIN % _LANES == 0
    mesh = plsc.VectorSubcoreMesh(core_axis_name="c", subcore_axis_name="s")

    @functools.partial(
        pl.kernel, mesh=mesh,
        out_type=jax.ShapeDtypeStruct((B, I), jnp.float32),
        compiler_params=pltpu.CompilerParams(needs_layout_passes=False),
        scratch_types=[
            pltpu.VMEM((SPW,), jnp.int32),
            pltpu.VMEM((C, Ipad), jnp.float32),
            pltpu.VMEM((C, Ipad), jnp.float32),
            pltpu.VMEM((C, TAIL), jnp.float32),
            pltpu.VMEM((C, TAIL), jnp.float32),
            pltpu.SemaphoreType.DMA,
            pltpu.SemaphoreType.DMA,
            pltpu.SemaphoreType.DMA,
        ],
    )
    def expand(table_hbm, idx_hbm, out_hbm,
               idx_v, bufA, bufB, tailA, tailB, semi, semsA, semsB):
        wid = lax.axis_index("s") * NC + lax.axis_index("c")
        s0 = pl.multiple_of(wid * SPW, SPW)
        pltpu.async_copy(idx_hbm.at[pl.ds(s0, SPW)], idx_v, semi).wait()

        def gather(buf, c):
            off = pl.multiple_of(c * C, C)
            return pltpu.async_copy(
                table_hbm.at[idx_v.at[pl.ds(off, C)]], buf, semi)

        ktail = lax.iota(jnp.int32, 16) + MAIN // 16 * 0
        tcols = lax.iota(jnp.int32, 16) + (TAIL - 8)
        tmask = lax.iota(jnp.int32, 16) < 8
        zeros16 = jnp.zeros((16,), jnp.int32)

        def repack(buf, tail):
            def body(r, carry):
                for k in range(TAIL // 16):
                    tail[r, pl.ds(16 * k, 16)] = buf[r, pl.ds(MAIN + 16 * k,
                                                              16)]
                x = buf[r, pl.ds(MAIN + TAIL - 8, 16)]
                plsc.store_scatter(tail, [zeros16 + r, tcols], x, mask=tmask)
                return carry

            lax.fori_loop(0, C, body, 0)

        def scatter(buf, tail, sems, c):
            row = pl.multiple_of(s0 + c * C, C)
            pltpu.async_copy(buf.at[:, pl.ds(0, MAIN)],
                             out_hbm.at[pl.ds(row, C), pl.ds(0, MAIN)], sems)
            pltpu.async_copy(tail,
                             out_hbm.at[pl.ds(row, C), pl.ds(MAIN, TAIL)],
                             sems)

        def drain(buf, tail, sems):
            pltpu.make_async_copy(
                buf.at[:, pl.ds(0, MAIN)],
                out_hbm.at[pl.ds(0, C), pl.ds(0, MAIN)], sems).wait()
            pltpu.make_async_copy(
                tail, out_hbm.at[pl.ds(0, C), pl.ds(MAIN, TAIL)], sems).wait()

        def chunk_pair(p, carry):
            c0 = 2 * p

            @pl.when(p > 0)
            def _():
                drain(bufA, tailA, semsA)

            cpA = gather(bufA, c0)

            @pl.when(p > 0)
            def _():
                drain(bufB, tailB, semsB)

            cpB = gather(bufB, c0 + 1)
            cpA.wait()
            repack(bufA, tailA)
            scatter(bufA, tailA, semsA, c0)
            cpB.wait()
            repack(bufB, tailB)
            scatter(bufB, tailB, semsB, c0 + 1)
            return carry

        lax.fori_loop(0, n_chunks // 2, chunk_pair, 0)
        drain(bufA, tailA, semsA)
        drain(bufB, tailB, semsB)

    return expand


def kernel(user_latent_value, item_latent_value, user_idx):
    S, U, D = user_latent_value.shape
    I = item_latent_value.shape[1]
    B = user_idx.shape[0]
    Upad = (U + _LANES - 1) // _LANES * _LANES
    Ipad = (I + _LANES - 1) // _LANES * _LANES
    u2 = user_latent_value.reshape(U, D)
    u2 = jnp.pad(u2, ((0, Upad - U), (0, 0)))
    it2 = item_latent_value.reshape(I, D)
    it2 = jnp.pad(it2, ((0, Ipad - I), (0, 0)))
    table = pl.pallas_call(
        functools.partial(_log_softmax_table_kernel, I),
        out_shape=jax.ShapeDtypeStruct((Upad, Ipad), jnp.float32),
    )(u2, it2)
    out2 = _make_expand(U, I, Ipad, B)(table, user_idx.astype(jnp.int32))
    return out2[None]

# --- scband reference (transcript-rebuilt; emitter-appended) ---
"""Pipeline reference for scband-bemb-84550726189746 (READ-ONLY COPY).

The authoritative reference and input builder live on the scoring server;
editing this copy changes nothing except your own understanding.
"""

import jax, jax.numpy as jnp
import numpy as np

NUM_USERS = 1000
NUM_ITEMS = 1000
LATENT_DIM = 64
NUM_SEEDS = 1
BATCH = 16384


def setup_inputs(seed: int = 0) -> dict:
    key = jax.random.key(seed)
    k1, k2, k3 = jax.random.split(key, 3)
    user_latent_value = jax.random.normal(k1, (NUM_SEEDS, NUM_USERS, LATENT_DIM), dtype=jnp.float32)
    item_latent_value = jax.random.normal(k2, (NUM_SEEDS, NUM_ITEMS, LATENT_DIM), dtype=jnp.float32)
    user_idx = jax.random.randint(k3, (BATCH,), 0, NUM_USERS, dtype=jnp.int64 if jax.config.jax_enable_x64 else jnp.int32)
    return {"user_latent_value": user_latent_value, "item_latent_value": item_latent_value, "user_idx": user_idx}


def reference(user_latent_value, item_latent_value, user_idx):
    # BEMB.log_p_all_items with likelihood_method='all'
    # utility = bmm(user_latent_value, item_latent_value^T) -> [S, U, I]
    utility = jnp.einsum('sud,sid->sui', user_latent_value, item_latent_value)
    # utility_by_session = utility[:, user_idx, :]  (gather user rows per session)
    utility_by_session = jnp.take(utility, user_idx, axis=1)
    # log_softmax over all items
    log_p = jax.nn.log_softmax(utility_by_session, axis=-1)
    return log_p

if __name__ == "__main__":
    import jax
    _d = setup_inputs()
    print(jax.jit(kernel)(*tuple(_d.values())))

</pallas_src>

<mosaic_0001>
#map = affine_map<(d0, d1) -> (0, 0)>
#map1 = affine_map<(d0, d1) -> (0)>
module attributes {stable_mosaic.version = 14 : i64} {
  func.func @expand(%arg0: i32, %arg1: i32, %arg2: memref<1024x1024xf32, #tpu.memory_space<hbm>>, %arg3: memref<16384xi32, #tpu.memory_space<hbm>>, %arg4: memref<16384x1000xf32, #tpu.memory_space<hbm>>, %arg5: memref<512xi32, #tpu.memory_space<vmem>>, %arg6: memref<32x1024xf32, #tpu.memory_space<vmem>>, %arg7: memref<32x1024xf32, #tpu.memory_space<vmem>>, %arg8: memref<32x104xf32, #tpu.memory_space<vmem>>, %arg9: memref<32x104xf32, #tpu.memory_space<vmem>>, %arg10: memref<!tpu.dma_semaphore, #tpu.memory_space<semaphore_mem>>, %arg11: memref<!tpu.dma_semaphore, #tpu.memory_space<semaphore_mem>>, %arg12: memref<!tpu.dma_semaphore, #tpu.memory_space<semaphore_mem>>) attributes {dimension_semantics = [#tpu.dimension_semantics<core_parallel>, #tpu.dimension_semantics<subcore_parallel>], iteration_bounds = array<i64: 2, 16>, scalar_prefetch = 0 : i64, scratch_operands = 8 : i64, tpu.core_type = #tpu.core_type<sc_vector_subcore>, window_params = [{transform_indices = #map}, {transform_indices = #map1}, {transform_indices = #map}]} {
    %mul3A = arith.constant 2 : i32
    %mul3A_0 = arith.muli %arg1, %mul3A : i32
    %add3A = arith.addi %mul3A_0, %arg0 : i32
    %mul3A_1 = arith.constant 512 : i32
    %mul3A_2 = arith.muli %add3A, %mul3A_1 : i32
    %multiple_of3A = tpu.assume_multiple %mul3A_2, 512 : i32
    %dma_start3A = tpu.memref_slice %arg3[%multiple_of3A] : memref<16384xi32, #tpu.memory_space<hbm>> -> memref<512xi32, #tpu.memory_space<hbm>>
    %dma_start3A_3 = tpu.memref_slice %arg3[%multiple_of3A] : memref<16384xi32, #tpu.memory_space<hbm>> -> memref<512xi32, #tpu.memory_space<hbm>>
    tpu.enqueue_dma source(%dma_start3A_3 : memref<512xi32, #tpu.memory_space<hbm>>) target(%arg5 : memref<512xi32, #tpu.memory_space<vmem>>) target_semaphore(%arg10 : memref<!tpu.dma_semaphore, #tpu.memory_space<semaphore_mem>>)
    %dma_wait3A = tpu.memref_slice %arg3[%multiple_of3A] : memref<16384xi32, #tpu.memory_space<hbm>> -> memref<512xi32, #tpu.memory_space<hbm>>
    %dma_wait3A_4 = tpu.memref_slice %arg3[%multiple_of3A] : memref<16384xi32, #tpu.memory_space<hbm>> -> memref<512xi32, #tpu.memory_space<hbm>>
    tpu.wait_dma2 semaphore(%arg10 : memref<!tpu.dma_semaphore, #tpu.memory_space<semaphore_mem>>) src(%dma_wait3A_4 : memref<512xi32, #tpu.memory_space<hbm>>) dst(%arg5 : memref<512xi32, #tpu.memory_space<vmem>>)
    %iota3A = tpu.iota {dimensions = array<i32: 0>} : vector<16xi32>
    %add3A_5 = arith.constant 0 : i32
    %add3A_6 = vector.broadcast %add3A_5 : i32 to vector<16xi32>
    %add3A_7 = arith.addi %iota3A, %add3A_6 : vector<16xi32>
    %iota3A_8 = tpu.iota {dimensions = array<i32: 0>} : vector<16xi32>
    %add3A_9 = arith.constant 96 : i32
    %add3A_10 = vector.broadcast %add3A_9 : i32 to vector<16xi32>
    %add3A_11 = arith.addi %iota3A_8, %add3A_10 : vector<16xi32>
    %iota3A_12 = tpu.iota {dimensions = array<i32: 0>} : vector<16xi32>
    %lt3A = arith.constant 8 : i32
    %lt3A_13 = vector.broadcast %lt3A : i32 to vector<16xi32>
    %lt3A_14 = arith.cmpi slt, %iota3A_12, %lt3A_13 : vector<16xi32>
    %broadcast_in_dim3A = arith.constant 0 : i32
    %broadcast_in_dim3A_15 = vector.broadcast %broadcast_in_dim3A : i32 to vector<16xi32>
    %scan3A = arith.constant 0 : i32
    %scan3A_16 = arith.constant 0 : i32
    %scan3A_17 = arith.constant 8 : i32
    %scan3A_18 = arith.addi %scan3A_16, %scan3A_17 : i32
    %scan3A_19 = arith.constant 1 : i32
    scf.for %scan3A_57 = %scan3A_16 to %scan3A_18 step %scan3A_19  : i32 {
      %mul3A_58 = arith.constant 2 : i32
      %mul3A_59 = arith.muli %mul3A_58, %scan3A_57 : i32
      %gt3A = arith.constant 0 : i32
      %gt3A_60 = arith.cmpi sgt, %scan3A_57, %gt3A : i32
      %convert_element_type3A = arith.extui %gt3A_60 : i1 to i32
      %cond3A = arith.constant 0 : i32
      %cond3A_61 = arith.cmpi ne, %convert_element_type3A, %cond3A : i32
      scf.if %cond3A_61 {
        %dma_wait3A_141 = arith.constant 0 : i32
        %dma_wait3A_142 = arith.constant 0 : i32
        %dma_wait3A_143 = tpu.memref_slice %arg6[%dma_wait3A_141, %dma_wait3A_142] : memref<32x1024xf32, #tpu.memory_space<vmem>> -> memref<32x896xf32, #tpu.memory_space<vmem>>
        %dma_wait3A_144 = arith.constant 0 : i32
        %dma_wait3A_145 = arith.constant 0 : i32
        %dma_wait3A_146 = tpu.memref_slice %arg4[%dma_wait3A_144, %dma_wait3A_145] : memref<16384x1000xf32, #tpu.memory_space<hbm>> -> memref<32x896xf32, #tpu.memory_space<hbm>>
        %dma_wait3A_147 = arith.constant 0 : i32
        %dma_wait3A_148 = arith.constant 0 : i32
        %dma_wait3A_149 = tpu.memref_slice %arg4[%dma_wait3A_147, %dma_wait3A_148] : memref<16384x1000xf32, #tpu.memory_space<hbm>> -> memref<32x896xf32, #tpu.memory_space<hbm>>
        %dma_wait3A_150 = arith.constant 0 : i32
        %dma_wait3A_151 = arith.constant 0 : i32
        %dma_wait3A_152 = tpu.memref_slice %arg6[%dma_wait3A_150, %dma_wait3A_151] : memref<32x1024xf32, #tpu.memory_space<vmem>> -> memref<32x896xf32, #tpu.memory_space<vmem>>
        tpu.wait_dma2 semaphore(%arg11 : memref<!tpu.dma_semaphore, #tpu.memory_space<semaphore_mem>>) src(%dma_wait3A_152 : memref<32x896xf32, #tpu.memory_space<vmem>>) dst(%dma_wait3A_149 : memref<32x896xf32, #tpu.memory_space<hbm>>)
        %dma_wait3A_153 = arith.constant 0 : i32
        %dma_wait3A_154 = arith.constant 896 : i32
        %dma_wait3A_155 = tpu.memref_slice %arg4[%dma_wait3A_153, %dma_wait3A_154] : memref<16384x1000xf32, #tpu.memory_space<hbm>> -> memref<32x104xf32, #tpu.memory_space<hbm>>
        %dma_wait3A_156 = arith.constant 0 : i32
        %dma_wait3A_157 = arith.constant 896 : i32
        %dma_wait3A_158 = tpu.memref_slice %arg4[%dma_wait3A_156, %dma_wait3A_157] : memref<16384x1000xf32, #tpu.memory_space<hbm>> -> memref<32x104xf32, #tpu.memory_space<hbm>>
        tpu.wait_dma2 semaphore(%arg11 : memref<!tpu.dma_semaphore, #tpu.memory_space<semaphore_mem>>) src(%arg8 : memref<32x104xf32, #tpu.memory_space<vmem>>) dst(%dma_wait3A_158 : memref<32x104xf32, #tpu.memory_space<hbm>>)
      } else {
      }
      %mul3A_62 = arith.constant 32 : i32
      %mul3A_63 = arith.muli %mul3A_59, %mul3A_62 : i32
      %multiple_of3A_64 = tpu.assume_multiple %mul3A_63, 32 : i32
      %dma_start3A_65 = tpu.memref_slice %arg5[%multiple_of3A_64] : memref<512xi32, #tpu.memory_space<vmem>> -> memref<32xi32, #tpu.memory_space<vmem>>
      %dma_start3A_66 = arith.constant 0 : i32
      %dma_start3A_67 = arith.constant 0 : i32
      %dma_start3A_68 = tpu.memref_slice %arg2[%dma_start3A_66, %dma_start3A_67] : memref<1024x1024xf32, #tpu.memory_space<hbm>> -> memref<1024x1024xf32, #tpu.memory_space<hbm>>
      tpu.enqueue_indirect_dma source(%dma_start3A_68 : memref<1024x1024xf32, #tpu.memory_space<hbm>>) target(%arg6 : memref<32x1024xf32, #tpu.memory_space<vmem>>) offsets(%dma_start3A_65 : memref<32xi32, #tpu.memory_space<vmem>>) semaphore(%arg10 : memref<!tpu.dma_semaphore, #tpu.memory_space<semaphore_mem>>)
      %gt3A_69 = arith.constant 0 : i32
      %gt3A_70 = arith.cmpi sgt, %scan3A_57, %gt3A_69 : i32
      %convert_element_type3A_71 = arith.extui %gt3A_70 : i1 to i32
      %cond3A_72 = arith.constant 0 : i32
      %cond3A_73 = arith.cmpi ne, %convert_element_type3A_71, %cond3A_72 : i32
      scf.if %cond3A_73 {
        %dma_wait3A_141 = arith.constant 0 : i32
        %dma_wait3A_142 = arith.constant 0 : i32
        %dma_wait3A_143 = tpu.memref_slice %arg7[%dma_wait3A_141, %dma_wait3A_142] : memref<32x1024xf32, #tpu.memory_space<vmem>> -> memref<32x896xf32, #tpu.memory_space<vmem>>
        %dma_wait3A_144 = arith.constant 0 : i32
        %dma_wait3A_145 = arith.constant 0 : i32
        %dma_wait3A_146 = tpu.memref_slice %arg4[%dma_wait3A_144, %dma_wait3A_145] : memref<16384x1000xf32, #tpu.memory_space<hbm>> -> memref<32x896xf32, #tpu.memory_space<hbm>>
        %dma_wait3A_147 = arith.constant 0 : i32
        %dma_wait3A_148 = arith.constant 0 : i32
        %dma_wait3A_149 = tpu.memref_slice %arg4[%dma_wait3A_147, %dma_wait3A_148] : memref<16384x1000xf32, #tpu.memory_space<hbm>> -> memref<32x896xf32, #tpu.memory_space<hbm>>
        %dma_wait3A_150 = arith.constant 0 : i32
        %dma_wait3A_151 = arith.constant 0 : i32
        %dma_wait3A_152 = tpu.memref_slice %arg7[%dma_wait3A_150, %dma_wait3A_151] : memref<32x1024xf32, #tpu.memory_space<vmem>> -> memref<32x896xf32, #tpu.memory_space<vmem>>
        tpu.wait_dma2 semaphore(%arg12 : memref<!tpu.dma_semaphore, #tpu.memory_space<semaphore_mem>>) src(%dma_wait3A_152 : memref<32x896xf32, #tpu.memory_space<vmem>>) dst(%dma_wait3A_149 : memref<32x896xf32, #tpu.memory_space<hbm>>)
        %dma_wait3A_153 = arith.constant 0 : i32
        %dma_wait3A_154 = arith.constant 896 : i32
        %dma_wait3A_155 = tpu.memref_slice %arg4[%dma_wait3A_153, %dma_wait3A_154] : memref<16384x1000xf32, #tpu.memory_space<hbm>> -> memref<32x104xf32, #tpu.memory_space<hbm>>
        %dma_wait3A_156 = arith.constant 0 : i32
        %dma_wait3A_157 = arith.constant 896 : i32
        %dma_wait3A_158 = tpu.memref_slice %arg4[%dma_wait3A_156, %dma_wait3A_157] : memref<16384x1000xf32, #tpu.memory_space<hbm>> -> memref<32x104xf32, #tpu.memory_space<hbm>>
        tpu.wait_dma2 semaphore(%arg12 : memref<!tpu.dma_semaphore, #tpu.memory_space<semaphore_mem>>) src(%arg9 : memref<32x104xf32, #tpu.memory_space<vmem>>) dst(%dma_wait3A_158 : memref<32x104xf32, #tpu.memory_space<hbm>>)
      } else {
      }
      %add3A_74 = arith.constant 1 : i32
      %add3A_75 = arith.addi %mul3A_59, %add3A_74 : i32
      %mul3A_76 = arith.constant 32 : i32
      %mul3A_77 = arith.muli %add3A_75, %mul3A_76 : i32
      %multiple_of3A_78 = tpu.assume_multiple %mul3A_77, 32 : i32
      %dma_start3A_79 = tpu.memref_slice %arg5[%multiple_of3A_78] : memref<512xi32, #tpu.memory_space<vmem>> -> memref<32xi32, #tpu.memory_space<vmem>>
      %dma_start3A_80 = arith.constant 0 : i32
      %dma_start3A_81 = arith.constant 0 : i32
      %dma_start3A_82 = tpu.memref_slice %arg2[%dma_start3A_80, %dma_start3A_81] : memref<1024x1024xf32, #tpu.memory_space<hbm>> -> memref<1024x1024xf32, #tpu.memory_space<hbm>>
      tpu.enqueue_indirect_dma source(%dma_start3A_82 : memref<1024x1024xf32, #tpu.memory_space<hbm>>) target(%arg7 : memref<32x1024xf32, #tpu.memory_space<vmem>>) offsets(%dma_start3A_79 : memref<32xi32, #tpu.memory_space<vmem>>) semaphore(%arg10 : memref<!tpu.dma_semaphore, #tpu.memory_space<semaphore_mem>>)
      %dma_wait3A_83 = tpu.memref_slice %arg5[%multiple_of3A_64] : memref<512xi32, #tpu.memory_space<vmem>> -> memref<32xi32, #tpu.memory_space<vmem>>
      %dma_wait3A_84 = arith.constant 0 : i32
      %dma_wait3A_85 = arith.constant 0 : i32
      %dma_wait3A_86 = tpu.memref_slice %arg2[%dma_wait3A_84, %dma_wait3A_85] : memref<1024x1024xf32, #tpu.memory_space<hbm>> -> memref<1024x1024xf32, #tpu.memory_space<hbm>>
      tpu.wait_indirect_dma semaphore(%arg10 : memref<!tpu.dma_semaphore, #tpu.memory_space<semaphore_mem>>) src(%dma_wait3A_86 : memref<1024x1024xf32, #tpu.memory_space<hbm>>) dst(%arg6 : memref<32x1024xf32, #tpu.memory_space<vmem>>)
      %scan3A_87 = arith.constant 0 : i32
      %scan3A_88 = arith.constant 0 : i32
      %scan3A_89 = arith.constant 32 : i32
      %scan3A_90 = arith.addi %scan3A_88, %scan3A_89 : i32
      %scan3A_91 = arith.constant 1 : i32
      scf.for %scan3A_141 = %scan3A_88 to %scan3A_90 step %scan3A_91  : i32 {
        %get3A = arith.index_cast %scan3A_141 : i32 to index
        %get3A_142 = arith.constant 896 : index
        %get3A_143 = tpu.vector_load %arg6[%get3A, %get3A_142] {strides = array<i32>} : memref<32x1024xf32, #tpu.memory_space<vmem>>, vector<16xf32>,
        %swap3A = arith.index_cast %scan3A_141 : i32 to index
        %swap3A_144 = arith.constant 0 : index
        %swap3A_145 = tpu.vector_load %arg8[%swap3A, %swap3A_144] {strides = array<i32>} : memref<32x104xf32, #tpu.memory_space<vmem>>, vector<16xf32>,
        tpu.vector_store %arg8[%swap3A, %swap3A_144], %get3A_143 {strides = array<i32>} : memref<32x104xf32, #tpu.memory_space<vmem>>, vector<16xf32>,
        %get3A_146 = arith.index_cast %scan3A_141 : i32 to index
        %get3A_147 = arith.constant 912 : index
        %get3A_148 = tpu.vector_load %arg6[%get3A_146, %get3A_147] {strides = array<i32>} : memref<32x1024xf32, #tpu.memory_space<vmem>>, vector<16xf32>,
        %swap3A_149 = arith.index_cast %scan3A_141 : i32 to index
        %swap3A_150 = arith.constant 16 : index
        %swap3A_151 = tpu.vector_load %arg8[%swap3A_149, %swap3A_150] {strides = array<i32>} : memref<32x104xf32, #tpu.memory_space<vmem>>, vector<16xf32>,
        tpu.vector_store %arg8[%swap3A_149, %swap3A_150], %get3A_148 {strides = array<i32>} : memref<32x104xf32, #tpu.memory_space<vmem>>, vector<16xf32>,
        %get3A_152 = arith.index_cast %scan3A_141 : i32 to index
        %get3A_153 = arith.constant 928 : index
        %get3A_154 = tpu.vector_load %arg6[%get3A_152, %get3A_153] {strides = array<i32>} : memref<32x1024xf32, #tpu.memory_space<vmem>>, vector<16xf32>,
        %swap3A_155 = arith.index_cast %scan3A_141 : i32 to index
        %swap3A_156 = arith.constant 32 : index
        %swap3A_157 = tpu.vector_load %arg8[%swap3A_155, %swap3A_156] {strides = array<i32>} : memref<32x104xf32, #tpu.memory_space<vmem>>, vector<16xf32>,
        tpu.vector_store %arg8[%swap3A_155, %swap3A_156], %get3A_154 {strides = array<i32>} : memref<32x104xf32, #tpu.memory_space<vmem>>, vector<16xf32>,
        %get3A_158 = arith.index_cast %scan3A_141 : i32 to index
        %get3A_159 = arith.constant 944 : index
        %get3A_160 = tpu.vector_load %arg6[%get3A_158, %get3A_159] {strides = array<i32>} : memref<32x1024xf32, #tpu.memory_space<vmem>>, vector<16xf32>,
        %swap3A_161 = arith.index_cast %scan3A_141 : i32 to index
        %swap3A_162 = arith.constant 48 : index
        %swap3A_163 = tpu.vector_load %arg8[%swap3A_161, %swap3A_162] {strides = array<i32>} : memref<32x104xf32, #tpu.memory_space<vmem>>, vector<16xf32>,
        tpu.vector_store %arg8[%swap3A_161, %swap3A_162], %get3A_160 {strides = array<i32>} : memref<32x104xf32, #tpu.memory_space<vmem>>, vector<16xf32>,
        %get3A_164 = arith.index_cast %scan3A_141 : i32 to index
        %get3A_165 = arith.constant 960 : index
        %get3A_166 = tpu.vector_load %arg6[%get3A_164, %get3A_165] {strides = array<i32>} : memref<32x1024xf32, #tpu.memory_space<vmem>>, vector<16xf32>,
        %swap3A_167 = arith.index_cast %scan3A_141 : i32 to index
        %swap3A_168 = arith.constant 64 : index
        %swap3A_169 = tpu.vector_load %arg8[%swap3A_167, %swap3A_168] {strides = array<i32>} : memref<32x104xf32, #tpu.memory_space<vmem>>, vector<16xf32>,
        tpu.vector_store %arg8[%swap3A_167, %swap3A_168], %get3A_166 {strides = array<i32>} : memref<32x104xf32, #tpu.memory_space<vmem>>, vector<16xf32>,
        %get3A_170 = arith.index_cast %scan3A_141 : i32 to index
        %get3A_171 = arith.constant 976 : index
        %get3A_172 = tpu.vector_load %arg6[%get3A_170, %get3A_171] {strides = array<i32>} : memref<32x1024xf32, #tpu.memory_space<vmem>>, vector<16xf32>,
        %swap3A_173 = arith.index_cast %scan3A_141 : i32 to index
        %swap3A_174 = arith.constant 80 : index
        %swap3A_175 = tpu.vector_load %arg8[%swap3A_173, %swap3A_174] {strides = array<i32>} : memref<32x104xf32, #tpu.memory_space<vmem>>, vector<16xf32>,
        tpu.vector_store %arg8[%swap3A_173, %swap3A_174], %get3A_172 {strides = array<i32>} : memref<32x104xf32, #tpu.memory_space<vmem>>, vector<16xf32>,
        %get3A_176 = arith.index_cast %scan3A_141 : i32 to index
        %get3A_177 = arith.constant 992 : index
        %get3A_178 = tpu.vector_load %arg6[%get3A_176, %get3A_177] {strides = array<i32>} : memref<32x1024xf32, #tpu.memory_space<vmem>>, vector<16xf32>,
        %add3A_179 = vector.broadcast %scan3A_141 : i32 to vector<16xi32>
        %add3A_180 = arith.addi %broadcast_in_dim3A_15, %add3A_179 : vector<16xi32>
        tpu.vector_store_idx %arg8[%add3A_180, %add3A_11], %get3A_178 masked %lt3A_14 : memref<32x104xf32, #tpu.memory_space<vmem>>[vector<16xi32>, vector<16xi32>], vector<16xf32>, vector<16xi1>
      }
      %scan3A_92 = arith.constant 32 : i32
      %mul3A_93 = arith.constant 32 : i32
      %mul3A_94 = arith.muli %mul3A_59, %mul3A_93 : i32
      %add3A_95 = arith.addi %multiple_of3A, %mul3A_94 : i32
      %multiple_of3A_96 = tpu.assume_multiple %add3A_95, 32 : i32
      %dma_start3A_97 = arith.constant 0 : i32
      %dma_start3A_98 = arith.constant 0 : i32
      %dma_start3A_99 = tpu.memref_slice %arg6[%dma_start3A_97, %dma_start3A_98] : memref<32x1024xf32, #tpu.memory_space<vmem>> -> memref<32x896xf32, #tpu.memory_space<vmem>>
      %dma_start3A_100 = arith.constant 0 : i32
      %dma_start3A_101 = tpu.memref_slice %arg4[%multiple_of3A_96, %dma_start3A_100] : memref<16384x1000xf32, #tpu.memory_space<hbm>> -> memref<32x896xf32, #tpu.memory_space<hbm>>
      %dma_start3A_102 = arith.constant 0 : i32
      %dma_start3A_103 = tpu.memref_slice %arg4[%multiple_of3A_96, %dma_start3A_102] : memref<16384x1000xf32, #tpu.memory_space<hbm>> -> memref<32x896xf32, #tpu.memory_space<hbm>>
      %dma_start3A_104 = arith.constant 0 : i32
      %dma_start3A_105 = arith.constant 0 : i32
      %dma_start3A_106 = tpu.memref_slice %arg6[%dma_start3A_104, %dma_start3A_105] : memref<32x1024xf32, #tpu.memory_space<vmem>> -> memref<32x896xf32, #tpu.memory_space<vmem>>
      tpu.enqueue_dma source(%dma_start3A_106 : memref<32x896xf32, #tpu.memory_space<vmem>>) target(%dma_start3A_103 : memref<32x896xf32, #tpu.memory_space<hbm>>) target_semaphore(%arg11 : memref<!tpu.dma_semaphore, #tpu.memory_space<semaphore_mem>>)
      %dma_start3A_107 = arith.constant 896 : i32
      %dma_start3A_108 = tpu.memref_slice %arg4[%multiple_of3A_96, %dma_start3A_107] : memref<16384x1000xf32, #tpu.memory_space<hbm>> -> memref<32x104xf32, #tpu.memory_space<hbm>>
      %dma_start3A_109 = arith.constant 896 : i32
      %dma_start3A_110 = tpu.memref_slice %arg4[%multiple_of3A_96, %dma_start3A_109] : memref<16384x1000xf32, #tpu.memory_space<hbm>> -> memref<32x104xf32, #tpu.memory_space<hbm>>
      tpu.enqueue_dma source(%arg8 : memref<32x104xf32, #tpu.memory_space<vmem>>) target(%dma_start3A_110 : memref<32x104xf32, #tpu.memory_space<hbm>>) target_semaphore(%arg11 : memref<!tpu.dma_semaphore, #tpu.memory_space<semaphore_mem>>)
      %dma_wait3A_111 = tpu.memref_slice %arg5[%multiple_of3A_78] : memref<512xi32, #tpu.memory_space<vmem>> -> memref<32xi32, #tpu.memory_space<vmem>>
      %dma_wait3A_112 = arith.constant 0 : i32
      %dma_wait3A_113 = arith.constant 0 : i32
      %dma_wait3A_114 = tpu.memref_slice %arg2[%dma_wait3A_112, %dma_wait3A_113] : memref<1024x1024xf32, #tpu.memory_space<hbm>> -> memref<1024x1024xf32, #tpu.memory_space<hbm>>
      tpu.wait_indirect_dma semaphore(%arg10 : memref<!tpu.dma_semaphore, #tpu.memory_space<semaphore_mem>>) src(%dma_wait3A_114 : memref<1024x1024xf32, #tpu.memory_space<hbm>>) dst(%arg7 : memref<32x1024xf32, #tpu.memory_space<vmem>>)
      %scan3A_115 = arith.constant 0 : i32
      %scan3A_116 = arith.constant 0 : i32
      %scan3A_117 = arith.constant 32 : i32
      %scan3A_118 = arith.addi %scan3A_116, %scan3A_117 : i32
      %scan3A_119 = arith.constant 1 : i32
      scf.for %scan3A_141 = %scan3A_116 to %scan3A_118 step %scan3A_119  : i32 {
        %get3A = arith.index_cast %scan3A_141 : i32 to index
        %get3A_142 = arith.constant 896 : index
        %get3A_143 = tpu.vector_load %arg7[%get3A, %get3A_142] {strides = array<i32>} : memref<32x1024xf32, #tpu.memory_space<vmem>>, vector<16xf32>,
        %swap3A = arith.index_cast %scan3A_141 : i32 to index
        %swap3A_144 = arith.constant 0 : index
        %swap3A_145 = tpu.vector_load %arg9[%swap3A, %swap3A_144] {strides = array<i32>} : memref<32x104xf32, #tpu.memory_space<vmem>>, vector<16xf32>,
        tpu.vector_store %arg9[%swap3A, %swap3A_144], %get3A_143 {strides = array<i32>} : memref<32x104xf32, #tpu.memory_space<vmem>>, vector<16xf32>,
        %get3A_146 = arith.index_cast %scan3A_141 : i32 to index
        %get3A_147 = arith.constant 912 : index
        %get3A_148 = tpu.vector_load %arg7[%get3A_146, %get3A_147] {strides = array<i32>} : memref<32x1024xf32, #tpu.memory_space<vmem>>, vector<16xf32>,
        %swap3A_149 = arith.index_cast %scan3A_141 : i32 to index
        %swap3A_150 = arith.constant 16 : index
        %swap3A_151 = tpu.vector_load %arg9[%swap3A_149, %swap3A_150] {strides = array<i32>} : memref<32x104xf32, #tpu.memory_space<vmem>>, vector<16xf32>,
        tpu.vector_store %arg9[%swap3A_149, %swap3A_150], %get3A_148 {strides = array<i32>} : memref<32x104xf32, #tpu.memory_space<vmem>>, vector<16xf32>,
        %get3A_152 = arith.index_cast %scan3A_141 : i32 to index
        %get3A_153 = arith.constant 928 : index
        %get3A_154 = tpu.vector_load %arg7[%get3A_152, %get3A_153] {strides = array<i32>} : memref<32x1024xf32, #tpu.memory_space<vmem>>, vector<16xf32>,
        %swap3A_155 = arith.index_cast %scan3A_141 : i32 to index
        %swap3A_156 = arith.constant 32 : index
        %swap3A_157 = tpu.vector_load %arg9[%swap3A_155, %swap3A_156] {strides = array<i32>} : memref<32x104xf32, #tpu.memory_space<vmem>>, vector<16xf32>,
        tpu.vector_store %arg9[%swap3A_155, %swap3A_156], %get3A_154 {strides = array<i32>} : memref<32x104xf32, #tpu.memory_space<vmem>>, vector<16xf32>,
        %get3A_158 = arith.index_cast %scan3A_141 : i32 to index
        %get3A_159 = arith.constant 944 : index
        %get3A_160 = tpu.vector_load %arg7[%get3A_158, %get3A_159] {strides = array<i32>} : memref<32x1024xf32, #tpu.memory_space<vmem>>, vector<16xf32>,
        %swap3A_161 = arith.index_cast %scan3A_141 : i32 to index
        %swap3A_162 = arith.constant 48 : index
        %swap3A_163 = tpu.vector_load %arg9[%swap3A_161, %swap3A_162] {strides = array<i32>} : memref<32x104xf32, #tpu.memory_space<vmem>>, vector<16xf32>,
        tpu.vector_store %arg9[%swap3A_161, %swap3A_162], %get3A_160 {strides = array<i32>} : memref<32x104xf32, #tpu.memory_space<vmem>>, vector<16xf32>,
        %get3A_164 = arith.index_cast %scan3A_141 : i32 to index
        %get3A_165 = arith.constant 960 : index
        %get3A_166 = tpu.vector_load %arg7[%get3A_164, %get3A_165] {strides = array<i32>} : memref<32x1024xf32, #tpu.memory_space<vmem>>, vector<16xf32>,
        %swap3A_167 = arith.index_cast %scan3A_141 : i32 to index
        %swap3A_168 = arith.constant 64 : index
        %swap3A_169 = tpu.vector_load %arg9[%swap3A_167, %swap3A_168] {strides = array<i32>} : memref<32x104xf32, #tpu.memory_space<vmem>>, vector<16xf32>,
        tpu.vector_store %arg9[%swap3A_167, %swap3A_168], %get3A_166 {strides = array<i32>} : memref<32x104xf32, #tpu.memory_space<vmem>>, vector<16xf32>,
        %get3A_170 = arith.index_cast %scan3A_141 : i32 to index
        %get3A_171 = arith.constant 976 : index
        %get3A_172 = tpu.vector_load %arg7[%get3A_170, %get3A_171] {strides = array<i32>} : memref<32x1024xf32, #tpu.memory_space<vmem>>, vector<16xf32>,
        %swap3A_173 = arith.index_cast %scan3A_141 : i32 to index
        %swap3A_174 = arith.constant 80 : index
        %swap3A_175 = tpu.vector_load %arg9[%swap3A_173, %swap3A_174] {strides = array<i32>} : memref<32x104xf32, #tpu.memory_space<vmem>>, vector<16xf32>,
        tpu.vector_store %arg9[%swap3A_173, %swap3A_174], %get3A_172 {strides = array<i32>} : memref<32x104xf32, #tpu.memory_space<vmem>>, vector<16xf32>,
        %get3A_176 = arith.index_cast %scan3A_141 : i32 to index
        %get3A_177 = arith.constant 992 : index
        %get3A_178 = tpu.vector_load %arg7[%get3A_176, %get3A_177] {strides = array<i32>} : memref<32x1024xf32, #tpu.memory_space<vmem>>, vector<16xf32>,
        %add3A_179 = vector.broadcast %scan3A_141 : i32 to vector<16xi32>
        %add3A_180 = arith.addi %broadcast_in_dim3A_15, %add3A_179 : vector<16xi32>
        tpu.vector_store_idx %arg9[%add3A_180, %add3A_11], %get3A_178 masked %lt3A_14 : memref<32x104xf32, #tpu.memory_space<vmem>>[vector<16xi32>, vector<16xi32>], vector<16xf32>, vector<16xi1>
      }
      %scan3A_120 = arith.constant 32 : i32
      %add3A_121 = arith.constant 1 : i32
      %add3A_122 = arith.addi %mul3A_59, %add3A_121 : i32
      %mul3A_123 = arith.constant 32 : i32
      %mul3A_124 = arith.muli %add3A_122, %mul3A_123 : i32
      %add3A_125 = arith.addi %multiple_of3A, %mul3A_124 : i32
      %multiple_of3A_126 = tpu.assume_multiple %add3A_125, 32 : i32
      %dma_start3A_127 = arith.constant 0 : i32
      %dma_start3A_128 = arith.constant 0 : i32
      %dma_start3A_129 = tpu.memref_slice %arg7[%dma_start3A_127, %dma_start3A_128] : memref<32x1024xf32, #tpu.memory_space<vmem>> -> memref<32x896xf32, #tpu.memory_space<vmem>>
      %dma_start3A_130 = arith.constant 0 : i32
      %dma_start3A_131 = tpu.memref_slice %arg4[%multiple_of3A_126, %dma_start3A_130] : memref<16384x1000xf32, #tpu.memory_space<hbm>> -> memref<32x896xf32, #tpu.memory_space<hbm>>
      %dma_start3A_132 = arith.constant 0 : i32
      %dma_start3A_133 = tpu.memref_slice %arg4[%multiple_of3A_126, %dma_start3A_132] : memref<16384x1000xf32, #tpu.memory_space<hbm>> -> memref<32x896xf32, #tpu.memory_space<hbm>>
      %dma_start3A_134 = arith.constant 0 : i32
      %dma_start3A_135 = arith.constant 0 : i32
      %dma_start3A_136 = tpu.memref_slice %arg7[%dma_start3A_134, %dma_start3A_135] : memref<32x1024xf32, #tpu.memory_space<vmem>> -> memref<32x896xf32, #tpu.memory_space<vmem>>
      tpu.enqueue_dma source(%dma_start3A_136 : memref<32x896xf32, #tpu.memory_space<vmem>>) target(%dma_start3A_133 : memref<32x896xf32, #tpu.memory_space<hbm>>) target_semaphore(%arg12 : memref<!tpu.dma_semaphore, #tpu.memory_space<semaphore_mem>>)
      %dma_start3A_137 = arith.constant 896 : i32
      %dma_start3A_138 = tpu.memref_slice %arg4[%multiple_of3A_126, %dma_start3A_137] : memref<16384x1000xf32, #tpu.memory_space<hbm>> -> memref<32x104xf32, #tpu.memory_space<hbm>>
      %dma_start3A_139 = arith.constant 896 : i32
      %dma_start3A_140 = tpu.memref_slice %arg4[%multiple_of3A_126, %dma_start3A_139] : memref<16384x1000xf32, #tpu.memory_space<hbm>> -> memref<32x104xf32, #tpu.memory_space<hbm>>
      tpu.enqueue_dma source(%arg9 : memref<32x104xf32, #tpu.memory_space<vmem>>) target(%dma_start3A_140 : memref<32x104xf32, #tpu.memory_space<hbm>>) target_semaphore(%arg12 : memref<!tpu.dma_semaphore, #tpu.memory_space<semaphore_mem>>)
    }
    %scan3A_20 = arith.constant 8 : i32
    %dma_wait3A_21 = arith.constant 0 : i32
    %dma_wait3A_22 = arith.constant 0 : i32
    %dma_wait3A_23 = tpu.memref_slice %arg6[%dma_wait3A_21, %dma_wait3A_22] : memref<32x1024xf32, #tpu.memory_space<vmem>> -> memref<32x896xf32, #tpu.memory_space<vmem>>
    %dma_wait3A_24 = arith.constant 0 : i32
    %dma_wait3A_25 = arith.constant 0 : i32
    %dma_wait3A_26 = tpu.memref_slice %arg4[%dma_wait3A_24, %dma_wait3A_25] : memref<16384x1000xf32, #tpu.memory_space<hbm>> -> memref<32x896xf32, #tpu.memory_space<hbm>>
    %dma_wait3A_27 = arith.constant 0 : i32
    %dma_wait3A_28 = arith.constant 0 : i32
    %dma_wait3A_29 = tpu.memref_slice %arg4[%dma_wait3A_27, %dma_wait3A_28] : memref<16384x1000xf32, #tpu.memory_space<hbm>> -> memref<32x896xf32, #tpu.memory_space<hbm>>
    %dma_wait3A_30 = arith.constant 0 : i32
    %dma_wait3A_31 = arith.constant 0 : i32
    %dma_wait3A_32 = tpu.memref_slice %arg6[%dma_wait3A_30, %dma_wait3A_31] : memref<32x1024xf32, #tpu.memory_space<vmem>> -> memref<32x896xf32, #tpu.memory_space<vmem>>
    tpu.wait_dma2 semaphore(%arg11 : memref<!tpu.dma_semaphore, #tpu.memory_space<semaphore_mem>>) src(%dma_wait3A_32 : memref<32x896xf32, #tpu.memory_space<vmem>>) dst(%dma_wait3A_29 : memref<32x896xf32, #tpu.memory_space<hbm>>)
    %dma_wait3A_33 = arith.constant 0 : i32
    %dma_wait3A_34 = arith.constant 896 : i32
    %dma_wait3A_35 = tpu.memref_slice %arg4[%dma_wait3A_33, %dma_wait3A_34] : memref<16384x1000xf32, #tpu.memory_space<hbm>> -> memref<32x104xf32, #tpu.memory_space<hbm>>
    %dma_wait3A_36 = arith.constant 0 : i32
    %dma_wait3A_37 = arith.constant 896 : i32
    %dma_wait3A_38 = tpu.memref_slice %arg4[%dma_wait3A_36, %dma_wait3A_37] : memref<16384x1000xf32, #tpu.memory_space<hbm>> -> memref<32x104xf32, #tpu.memory_space<hbm>>
    tpu.wait_dma2 semaphore(%arg11 : memref<!tpu.dma_semaphore, #tpu.memory_space<semaphore_mem>>) src(%arg8 : memref<32x104xf32, #tpu.memory_space<vmem>>) dst(%dma_wait3A_38 : memref<32x104xf32, #tpu.memory_space<hbm>>)
    %dma_wait3A_39 = arith.constant 0 : i32
    %dma_wait3A_40 = arith.constant 0 : i32
    %dma_wait3A_41 = tpu.memref_slice %arg7[%dma_wait3A_39, %dma_wait3A_40] : memref<32x1024xf32, #tpu.memory_space<vmem>> -> memref<32x896xf32, #tpu.memory_space<vmem>>
    %dma_wait3A_42 = arith.constant 0 : i32
    %dma_wait3A_43 = arith.constant 0 : i32
    %dma_wait3A_44 = tpu.memref_slice %arg4[%dma_wait3A_42, %dma_wait3A_43] : memref<16384x1000xf32, #tpu.memory_space<hbm>> -> memref<32x896xf32, #tpu.memory_space<hbm>>
    %dma_wait3A_45 = arith.constant 0 : i32
    %dma_wait3A_46 = arith.constant 0 : i32
    %dma_wait3A_47 = tpu.memref_slice %arg4[%dma_wait3A_45, %dma_wait3A_46] : memref<16384x1000xf32, #tpu.memory_space<hbm>> -> memref<32x896xf32, #tpu.memory_space<hbm>>
    %dma_wait3A_48 = arith.constant 0 : i32
    %dma_wait3A_49 = arith.constant 0 : i32
    %dma_wait3A_50 = tpu.memref_slice %arg7[%dma_wait3A_48, %dma_wait3A_49] : memref<32x1024xf32, #tpu.memory_space<vmem>> -> memref<32x896xf32, #tpu.memory_space<vmem>>
    tpu.wait_dma2 semaphore(%arg12 : memref<!tpu.dma_semaphore, #tpu.memory_space<semaphore_mem>>) src(%dma_wait3A_50 : memref<32x896xf32, #tpu.memory_space<vmem>>) dst(%dma_wait3A_47 : memref<32x896xf32, #tpu.memory_space<hbm>>)
    %dma_wait3A_51 = arith.constant 0 : i32
    %dma_wait3A_52 = arith.constant 896 : i32
    %dma_wait3A_53 = tpu.memref_slice %arg4[%dma_wait3A_51, %dma_wait3A_52] : memref<16384x1000xf32, #tpu.memory_space<hbm>> -> memref<32x104xf32, #tpu.memory_space<hbm>>
    %dma_wait3A_54 = arith.constant 0 : i32
    %dma_wait3A_55 = arith.constant 896 : i32
    %dma_wait3A_56 = tpu.memref_slice %arg4[%dma_wait3A_54, %dma_wait3A_55] : memref<16384x1000xf32, #tpu.memory_space<hbm>> -> memref<32x104xf32, #tpu.memory_space<hbm>>
    tpu.wait_dma2 semaphore(%arg12 : memref<!tpu.dma_semaphore, #tpu.memory_space<semaphore_mem>>) src(%arg9 : memref<32x104xf32, #tpu.memory_space<vmem>>) dst(%dma_wait3A_56 : memref<32x104xf32, #tpu.memory_space<hbm>>)
    return
  }
}

module attributes {stable_mosaic.version = 14 : i64} {
  func.func @_log_softmax_table_kernel(%arg0: memref<1024x64xf32, #tpu.memory_space<vmem>>, %arg1: memref<1024x64xf32, #tpu.memory_space<vmem>>, %arg2: memref<1024x1024xf32, #tpu.memory_space<vmem>>) attributes {dimension_semantics = [], scalar_prefetch = 0 : i64, scratch_operands = 0 : i64, tpu.core_type = #tpu.core_type<tc>} {
    %get3A = arith.constant 0 : index
    %get3A_0 = arith.constant 0 : index
    %get3A_1 = vector.load %arg0[%get3A, %get3A_0] : memref<1024x64xf32, #tpu.memory_space<vmem>>, vector<1024x64xf32>
    %get3A_2 = arith.constant 0 : index
    %get3A_3 = arith.constant 0 : index
    %get3A_4 = vector.load %arg1[%get3A_2, %get3A_3] : memref<1024x64xf32, #tpu.memory_space<vmem>>, vector<1024x64xf32>
    %dot_general3A = arith.constant dense<0.000000e+00> : vector<1024x1024xf32>
    %dot_general3A_5 = tpu.matmul %get3A_1, %get3A_4, %dot_general3A {dimension_numbers = #tpu.dot_dimension_numbers<[1], [1], [0], [0], [0, 0, 1, 0], [], []>, transpose_lhs_hint = false} : vector<1024x64xf32>, vector<1024x64xf32>, vector<1024x1024xf32> -> vector<1024x1024xf32>
    %iota3A = tpu.iota {dimensions = array<i32: 1>} : vector<1024x1024xi32>
    %lt3A = arith.constant 1000 : i32
    %lt3A_6 = vector.broadcast %lt3A : i32 to vector<1024x1024xi32>
    %lt3A_7 = arith.cmpi slt, %iota3A, %lt3A_6 : vector<1024x1024xi32>
    %jit3A = arith.constant 0xFF800000 : f32
    %broadcast_in_dim3A = vector.broadcast %jit3A : f32 to vector<1024x1024xf32>
    %select_n3A = arith.select %lt3A_7, %dot_general3A_5, %broadcast_in_dim3A : vector<1024x1024xi1>, vector<1024x1024xf32>
    %reduce_max3A = arith.constant dense<0xFF800000> : vector<1024xf32>
    %reduce_max3A_8 = vector.multi_reduction <maximumf>, %select_n3A, %reduce_max3A [1] : vector<1024x1024xf32> to vector<1024xf32>
    %broadcast_in_dim3A_9 = vector.shape_cast %reduce_max3A_8 : vector<1024xf32> to vector<1024x1xf32>
    %sub3A = vector.broadcast %broadcast_in_dim3A_9 : vector<1024x1xf32> to vector<1024x1024xf32>
    %sub3A_10 = arith.subf %select_n3A, %sub3A : vector<1024x1024xf32>
    %exp3A = math.exp %sub3A_10 : vector<1024x1024xf32>
    %reduce_sum3A = arith.constant dense<0.000000e+00> : vector<1024xf32>
    %reduce_sum3A_11 = vector.multi_reduction <add>, %exp3A, %reduce_sum3A [1] : vector<1024x1024xf32> to vector<1024xf32>
    %broadcast_in_dim3A_12 = vector.shape_cast %reduce_sum3A_11 : vector<1024xf32> to vector<1024x1xf32>
    %log3A = math.log %broadcast_in_dim3A_12 : vector<1024x1xf32>
    %add3A = arith.addf %broadcast_in_dim3A_9, %log3A : vector<1024x1xf32>
    %sub3A_13 = vector.broadcast %add3A : vector<1024x1xf32> to vector<1024x1024xf32>
    %sub3A_14 = arith.subf %select_n3A, %sub3A_13 : vector<1024x1024xf32>
    %swap3A = arith.constant 0 : index
    %swap3A_15 = arith.constant 0 : index
    %swap3A_16 = vector.load %arg2[%swap3A, %swap3A_15] : memref<1024x1024xf32, #tpu.memory_space<vmem>>, vector<1024x1024xf32>
    tpu.vector_store %arg2[%swap3A, %swap3A_15], %sub3A_14 {strides = array<i32>} : memref<1024x1024xf32, #tpu.memory_space<vmem>>, vector<1024x1024xf32>,
    return
  }
}

</mosaic_0001>

<sc_bundles>
// kernel: kernel.4.cloned.1.call-start
scs
__scs_entry_jumppad:
0x0: {  	(pc) =	sbr.rel $0x88, $3  }
0x1: {  	(tag) =	ssettag $0x0;
	lr =	simm.s32 $0x1  }
0x2: {  	[smem:$0x3F9E] =	sst lr;
	_ =	strace $0xD0000000  }
0x3: {  	_ = 	snop  }
0x4: {  	_ = 	snop  }
0x5: {  	_ = 	snop  }
0x6: {  	_ = 	snop  }
0x7: {  	_ = 	snop  }
__scs_overlays_trampoline_lowered:
0x8: {  	[smem:$0x3FAD] =	sst s0  }
0x9: {  	[smem:$0x3FAE] =	sst s1  }
0xa: {  	[smem:$0x3FAF] =	sst s2  }
0xb: {  	[smem:$0x3FB0] =	sst s3  }
0xc: {  	[smem:$0x3FB1] =	sst s4  }
0xd: {  	[smem:$0x3FB2] =	sst s5  }
0xe: {  	[smem:$0x3FB3] =	sst s6  }
0xf: {  	[smem:$0x3FB4] =	sst s7  }
0x10: {  	[smem:$0x3FB5] =	sst s8  }
0x11: {  	[smem:$0x3FB6] =	sst s9;
	s0 =	simm.s32 @!p0 $0x0  }
0x12: {  	s1 =	sld [smem:$0x3F9C];
	s0 =	simm.s32 @p0 $0x1  }
0x13: {  	[smem:$0x3FB7] =	sst s0;
	s0 =	simm.s32 @!p1 $0x0  }
0x14: {  	s2 =	sld [smem:$0x3F9B];
	s0 =	simm.s32 @p1 $0x1  }
0x15: {  	[smem:$0x3FB8] =	sst s0;
	s0 =	simm.s32 @!p2 $0x0  }
0x16: {  	s3 =	sld [smem:$0x3FDB];
	s0 =	simm.s32 @p2 $0x1  }
0x17: {  	s4 =	simm.s32 $0x1BF5;
	[smem:$0x3FBA] =	sst s0  }
0x18: {  	s0 =	sld [smem:$0x3F9D];
	_ =	swait.ge [sflag:s4], $0x0  }
0x19: {  	s7 =	sld [smem:$0x3F9E]  }
0x1a: {  	s8 =	sadd.s32 $0xFFFFE003, lr  }
0x1b: {  	s9 =	sadd.s32 $0xFFFFFEF7, lr;
	s5 =	simm.s32 $0xFFFFFFFF;
	p2 =	slt.u32 s8, $0xFFFFF086  }
0x1c: {  	p1 =	slt.u32 s9, $0xF7A;
	s5 =	simm.s32 @!p2 $0x0  }
0x1d: {  	s5 =	simm.s32 @p1 $0x1;
	p0 =	seq.s32 s7, s2  }
0x1e: {  	s7 =	smul.u32 @!p0 $0xF7A, s2;
	p2 =	seq.s32 @!p0 s5, $0x0  }
0x1f: {  	s9 =	smul.u32 $0xF7A, s1;
	s8 =	simm.s32 @!p0 $0x1BF5;
	p2 =	por !p2, p0  }
0x20: {  	[sflag:s8] =	ssyncset.s32 @!p0 $0xFFFFF086;
	s6 =	sadd.s32 @!p0 s3, s7;
	s7 =	simm.s32 @!p0 $0x108  }
0x21: {  	s3 =	sadd.s32 s3, s9;
	s6 =	sadd.s32 @!p0 $0x88, s6;
	s7 =	simm.s32 @p2 $0x1082  }
0x22: {  	[simem:s7], [sflag:s8] =	dma.local @!p0 [hbm:s6], $0xF7A  }
0x23: {  	s9 =	sor.u32 $0xD0000000, s2;
	s6 =	simm.s32 $0x108;
	_ =	swait.ge @!p0 [sflag:s8], $0x0  }
0x24: {  	s3 =	sadd.s32 $0x88, s3;
	s6 =	simm.s32 @!p1 $0x1082;
	[sflag:s4] =	ssyncset.s32 $0xFFFFF086  }
0x25: {  	[simem:s6], [sflag:s4] =	dma.local [hbm:s3], $0xF7A  }
0x26: {  	[smem:$0x3F9E] =	sst s1;
	(tag) =	ssettag s2;
	_ =	strace s9  }
0x27: {  	s1 =	sld [smem:$0x3FAE]  }
0x28: {  	s2 =	sld [smem:$0x3FAF]  }
0x29: {  	s4 =	sld [smem:$0x3FB1]  }
0x2a: {  	p0 =	seq.s32 s5, $0x0;
	s5 =	sld [smem:$0x3FB2]  }
0x2b: {  	s6 =	sld [smem:$0x3FB3]  }
0x2c: {  	s7 =	sld [smem:$0x3FB4]  }
0x2d: {  	s3 =	simm.s32 $0x108;
	s8 =	sld [smem:$0x3FB5]  }
0x2e: {  	s3 =	simm.s32 @!p0 $0x1082;
	s9 =	sld [smem:$0x3FB6]  }
0x2f: {  	lr =	sadd.s32 s0, s3;
	s0 =	sld [smem:$0x3FAD]  }
0x30: {  	s3 =	sld [smem:$0x3FB0]  }
0x31: {  	[smem:$0x3FB9] =	sst s10  }
0x32: {  	s10 =	sld [smem:$0x3FB7];
	_ =	sdelay $0x3  }
0x33: {  	p0 =	seq.s32 s10, $0x1;
	s10 =	sld [smem:$0x3FB9];
	_ =	sdelay $0x3  }
0x34: {  	[smem:$0x3FB9] =	sst s10  }
0x35: {  	s10 =	sld [smem:$0x3FB8];
	_ =	sdelay $0x3  }
0x36: {  	p1 =	seq.s32 s10, $0x1;
	s10 =	sld [smem:$0x3FB9];
	_ =	sdelay $0x3  }
0x37: {  	[smem:$0x3FB9] =	sst s10  }
0x38: {  	s10 =	sld [smem:$0x3FBA]  }
0x39: {  	_ = 	snop;
	(pc) =	sbr.ind lr, $3  }
0x3a: {  	_ = 	snop  }
0x3b: {  	_ = 	snop  }
0x3c: {  	p2 =	seq.s32 s10, $0x1;
	s10 =	sld [smem:$0x3FB9]  }
0x3d: {  	_ =	shalt  }
0x3e: {  	_ =	shalt  }
0x3f: {  	_ =	shalt  }
0x40: {  	_ =	shalt  }
0x41: {  	_ =	shalt  }
0x42: {  	_ =	shalt  }
0x43: {  	_ =	shalt  }
0x44: {  	_ =	shalt  }
0x45: {  	_ =	shalt  }
0x46: {  	_ =	shalt  }
0x47: {  	_ =	shalt  }
0x48: {  	_ =	shalt  }
0x49: {  	_ =	shalt  }
0x4a: {  	_ =	shalt  }
0x4b: {  	_ =	shalt  }
0x4c: {  	_ =	shalt  }
0x4d: {  	_ =	shalt  }
0x4e: {  	_ =	shalt  }
0x4f: {  	_ =	shalt  }
0x50: {  	_ =	shalt  }
0x51: {  	_ =	shalt  }
0x52: {  	_ =	shalt  }
0x53: {  	_ =	shalt  }
0x54: {  	_ =	shalt  }
0x55: {  	_ =	shalt  }
0x56: {  	_ =	shalt  }
0x57: {  	_ =	shalt  }
0x58: {  	_ =	shalt  }
0x59: {  	_ =	shalt  }
0x5a: {  	_ =	shalt  }
0x5b: {  	_ =	shalt  }
0x5c: {  	_ =	shalt  }
0x5d: {  	_ =	shalt  }
0x5e: {  	_ =	shalt  }
0x5f: {  	_ =	shalt  }
0x60: {  	_ =	shalt  }
0x61: {  	_ =	shalt  }
0x62: {  	_ =	shalt  }
0x63: {  	_ =	shalt  }
0x64: {  	_ =	shalt  }
0x65: {  	_ =	shalt  }
0x66: {  	_ =	shalt  }
0x67: {  	_ =	shalt  }
0x68: {  	_ =	shalt  }
0x69: {  	_ =	shalt  }
0x6a: {  	_ =	shalt  }
0x6b: {  	_ =	shalt  }
0x6c: {  	_ =	shalt  }
0x6d: {  	_ =	shalt  }
0x6e: {  	_ =	shalt  }
0x6f: {  	_ =	shalt  }
0x70: {  	_ =	shalt  }
0x71: {  	_ =	shalt  }
0x72: {  	_ =	shalt  }
0x73: {  	_ =	shalt  }
0x74: {  	_ =	shalt  }
0x75: {  	_ =	shalt  }
0x76: {  	_ =	shalt  }
0x77: {  	_ =	shalt  }
0x78: {  	_ =	shalt  }
0x79: {  	_ =	shalt  }
0x7a: {  	_ =	shalt  }
0x7b: {  	_ =	shalt  }
0x7c: {  	_ =	shalt  }
0x7d: {  	_ =	shalt  }
0x7e: {  	_ =	shalt  }
0x7f: {  	_ =	shalt  }
0x80: {  	_ =	shalt  }
0x81: {  	_ =	shalt  }
0x82: {  	_ =	shalt  }
0x83: {  	_ =	shalt  }
0x84: {  	_ =	shalt  }
0x85: {  	_ =	shalt  }
0x86: {  	_ =	shalt  }
0x87: {  	_ =	shalt  }
.Lfunc_end0:
.L_simem_size_0:
called_computation.1_lowered:
.L_overlay_start_0:
0x88: {  	s2 =	sld [smem:$0x3FD9]  }
0x89: {  	s3 =	sld [smem:$0x3FFE];
	_ =	sdelay $0x1  }
0x8a: {  	s1 =	srdreg.scid  }
0x8b: {  	s0 =	sand.u32 $0x1, s1  }
0x8c: {  	s17 =	sshll.u32 s0, $0xA;
	s2 =	sadd.s32 s3, s2  }
0x8d: {  	s2 =	sadd.s32 s2, s17  }
0x8e: {  	[smem:$0x3FC5] =	sst s2  }
0x8f: {  	_ = 	snop  }
0x90: {  	s2 =	sld [smem:$0x3FC7]  }
0x91: {  	s18 =	sld [smem:$0x3FD0];
	(tm) =	ssettm $0x1  }
0x92: {  	s4 =	sld [smem:$0x3FFB];
	_ =	sdelay $0x3  }
0x93: {  	_ =	strace s4  }
0x94: {  	s4 =	sld [smem:$0x3FFC];
	_ =	sdelay $0x3  }
0x95: {  	_ =	strace s4  }
0x96: {  	s4 =	sld [smem:$0x3FFD];
	_ =	sdelay $0x3  }
0x97: {  	_ =	strace s4  }
0x98: {  	_ =	strace $0x8FFFFFFF  }
0x99: {  	s19 =	sld [smem:$0x3FDB];
	_ =	sdelay $0x1  }
0x9a: {  	s5 =	simm.s32 $_scs_section_size  }
0x9b: {  	s6 =	simm.s32 $_size__tile_overlayer_lowered;
	s7 =	simm.s32 $_tile_overlayer_lowered  }
0x9c: {  	s22 =	simm.s32 $0x1BFF;
	s21 =	sshll.u32 s7, $0x1;
	s4 =	sadd.s32 s5, s19  }
0x9d: {  	s8 =	simm.s32 $0x0;
	s20 =	sshll.u32 s6, $0x1;
	s6 =	sadd.s32 s21, s4  }
0x9e: {  	[timem:s8], [sflag:s22] =	dma.local [hbm:s6], s20  }
0x9f: {  	_ =	swait.ge [sflag:s22], s20  }
0xa0: {  	s5 =	ssub.s32 $0x0, s20;
	[sflag:s22] =	ssyncset.done $0x0  }
0xa1: {  	[sflag:s22] =	ssyncadd.s32 s5;
	_ =	sdelay $0x1  }
0xa2: {  	s23 =	simm.s32 $0x1B8B  }
0xa3: {  	_ =	swait.ge [sflag:s23], $0x1  }
0xa4: {  	[sflag:s23] =	ssyncset.done $0x0  }
0xa5: {  	s25 =	simm.s32 $0x1B8E;
	s24 =	sld [smem:$0x3FFE];
	[sflag:s23] =	ssyncadd.s32 $0xFFFFFFFF  }
0xa6: {  	s26 =	simm.s32 $execute0_lowered;
	[smem:$0x3FD2] =	sst s25  }
0xa7: {  	s6 =	sshll.u32 s26, $0x1;
	_ =	strace $0x80000046;
	[dreg:$0x1] =	wrdreg $0xFFFFFFFF  }
0xa8: {  	s28 =	simm.s32 $_size_execute0_lowered;
	s4 =	sadd.s32 s4, s6;
	[dreg:$0x0] =	wrdreg $0x0  }
0xa9: {  	s6 =	sshll.u32 s28, $0x1;
	[dreg:$0x2] =	wrdreg s4  }
0xaa: {  	[dreg:$0x3] =	wrdreg s6  }
0xab: {  	[dreg:$0x4] =	wrdreg $0xC0  }
0xac: {  	_ =	task [dreg:s8], $0x5FFFF  }
0xad: {  	[dreg:$0x1] =	wrdreg $0xFFFFFFFF  }
0xae: {  	[dreg:$0x0] =	wrdreg $0x60  }
0xaf: {  	[dreg:$0x2] =	wrdreg s18  }
0xb0: {  	[dreg:$0x3] =	wrdreg s2  }
0xb1: {  	[dreg:$0x4] =	wrdreg s24  }
0xb2: {  	[dreg:$0x5] =	wrdreg $0x9  }
0xb3: {  	_ =	task.clear_ibuf [dreg:s8], $0x6FFFF;
	_ =	strace $0x90000046  }
0xb4: {  	s29 =	simm.s32 $0x9;
	_ =	strace $0x80000048  }
0xb5: {  	_ =	swait.ge [sflag:s29], $0x1  }
0xb6: {  	[sflag:s29] =	ssyncadd.s32 $0xFFFFFFFF  }
0xb7: {  	_ =	strace $0x90000048  }
0xb8: {  	_ =	sfence  }
0xb9: {  	s30 =	sld [smem:$0x0];
	_ =	sdelay $0x2  }
0xba: {  	s31 =	sshll.u32 s1, $0xD;
	s1 =	sshrl.u32 s1, $0x2  }
0xbb: {  	s3 =	sand.u32 $0x4000, s31;
	s1 =	sadd.s32 s1, s30  }
0xbc: {  	s0 =	sor.u32 s3, s0;
	s1 =	sshll.u32 s1, $0x11  }
0xbd: {  	s0 =	sor.u32 s1, s0  }
0xbe: {  	s0 =	sadd.s32 $0x8F2B, s0  }
0xbf: {  	[sflag:s0] =	ssyncadd.remote.s32 $0x1  }
0xc0: {  	_ =	sfence.sel $0xFFFF  }
0xc1: {  	[dreg:$0x0] =	wrdreg $0xFFFFFFFF;
	(pc) =	sbr.abs _section_cstart, $3  }
0xc2: {  	[dreg:$0x1] =	wrdreg $0xFFFFFFFF  }
0xc3: {  	_ =	task.clear_ibuf [dreg:s8], $0x2FFFF;
	_ =	strace $0x9FFFFFFF  }
0xc4: {  	(tm) =	ssettm $0x7FFFFFFF  }
0xc5: {  	_ =	shalt  }
tec
execute0_lowered:
.L_overlay_start_1:
0x0: {  	(tag) =	ssettag $0x1  }
0x1: {  	s1 =	rddreg [dreg:$0x0]  }
0x2: {  	s0 =	rddreg [dreg:$0x1]  }
0x3: {  	s2 =	rddreg [dreg:$0x2]  }
0x4: {  	s3 =	srdreg.scid;
	s5 =	stileid.u32;
	s12 =	simm.s32 $0x1  }
0x5: {  	s13 =	simm.s32 $0x200;
	s17 =	simm.s32 $0x2200;
	s21 =	simm.s32 $0x4200  }
0x6: {  	s30 =	simm.s32 $0x8200;
	s16 =	simm.s32 $0xC200;
	s22 =	simm.s32 $0xE200  }
0x7: {  	s28 =	simm.s32 $0x10200;
	s29 =	simm.s32 $0x400;
	s31 =	simm.s32 $0x2000  }
0x8: {  	s14 =	simm.s32 $0x0;
	s4 =	sand.u32 $0x1, s3;
	s3 =	simm.s32 $0x0  }
0x9: {  	s5 =	sshll.u32 s5, $0xA;
	s9 =	sadd.s32 $0x300, s1;
	s10 =	sadd.s32 $0xD80, s2  }
0xa: {  	s6 =	sshll.u32 s4, $0x9;
	[smem:$0x7FF] =	sst s3;
	s7 =	ssub.s32 $0x2, s4  }
0xb: {  	s4 =	sor.u32 s6, s5;
	_ =	strace $0x80000047;
	s25 =	sshrl.u32 s7, $0x1  }
0xc: {  	s5 =	sadd.s32 $0xA00, s2;
	s8 =	sshrl.u32 s4, $0x3;
	s6 =	ssub.s32 s7, s25  }
0xd: {  	v3 =	vlaneseq.u32;
	s7 =	sadd.s32 $0x100, s1;
	s25 =	simm.s32 $0x6200;
	s0 =	sadd.s32 s0, s8  }
0xe: {  	vm0 =	vmmov $0xffff;
	v1 =	vshrl.u32 v3, $0x3;
	v0 =	vand.u32 $0x7, v3;
	s8 =	sadd.s32 $0x200, s1;
	s26 =	smax.u32 s6, $0x1;
	[dreg:$0x4] =	wrdreg s0  }
0xf: {  	v2 =	vor.u32 $0x8, v3;
	v3 =	vor.u32 $0x60, v3;
	v1 =	vmul.u32 $0x8, v1;
	s6 =	simm.s32 $0xA200;
	[dreg:$0x5] =	wrdreg s26;
	s0 =	simm.s32 $0x11200  }
.LBB2_1:
0x10: {  	[dreg:$0x6] =	wrdreg s14  }
0x11: {  	s2 =	rddreg [dreg:$0x4]  }
0x12: {  	[tilespmem:s3], [sflag:$0x1] =	stream.linear.gather [hbm4b:s2+s3], $0x200, $0x38;
	[tilespmem:$0x12200] =	vst v63  }
0x13: {  	_ =	swait.ge [sflag:s12], $0x200  }
0x14: {  	[sflag:s12] =	ssyncset.done $0x0  }
0x15: {  	s2 =	simm.s32 $0x0;
	[sflag:s12] =	ssyncadd.s32 $0xFFFFFE00  }
.LBB2_2:
0x16: {  	p0 =	seq.s32 s2, $0x0  }
0x17: {  	s11 =	simm.s32 @!p0 $0x2  }
0x18: {  	_ =	swait.ge @!p0 [sflag:s11], $0x7000  }
0x19: {  	[sflag:s11] =	ssyncset.done @!p0 $0x0  }
0x1a: {  	[sflag:s11] =	ssyncadd.s32 @!p0 $0xFFFF9000  }
0x1b: {  	_ =	swait.ge @!p0 [sflag:s11], $0x1000  }
0x1c: {  	[sflag:s11] =	ssyncset.done @!p0 $0x0  }
0x1d: {  	s14 =	sshll.u32 s2, $0x6;
	[sflag:s11] =	ssyncadd.s32 @!p0 $0xFFFFF000  }
0x1e: {  	v4 =	vld [tilespmem:s14+$0x0];
	_ =	sdelay $0x4  }
0x1f: {  	v5 =	vshll.u32 v4, $0x3  }
0x20: {  	v4 =	vand.u32 $0x7, v4;
	v5 =	vand.u32 $0xFFFFFFC0, v5  }
0x21: {  	v4 =	vor.u32 v4, v5  }
0x22: {  	v5 =	vperm.xlane v4, v0;
	_ =	sdelay $0x1  }
0x23: {  	v5 =	vadd.s32 v1, v5;
	_ =	sdelay $0x4  }
0x24: {  	[tilespmem:s13], [sflag:$0x1] =	stream.indirect_vreg.gather [hbm4b:s1+s3], $0x80, v5, vm0, $0xb8;
	[tilespmem:$0x12200] =	vst v63  }
0x25: {  	s24 =	simm.s32 $0xA00;
	v4 =	vperm.xlane v4, v2  }
0x26: {  	[tilespmem:s24], [sflag:$0x1] =	stream.indirect_vreg.gather [hbm4b:s7+s3], $0x80, v5, vm0, $0xb8;
	[tilespmem:$0x12200] =	vst v63  }
0x27: {  	s26 =	simm.s32 $0x1200;
	v4 =	vadd.s32 v1, v4  }
0x28: {  	[tilespmem:s26], [sflag:$0x1] =	stream.indirect_vreg.gather [hbm4b:s8+s3], $0x80, v5, vm0, $0xb8;
	[tilespmem:$0x12200] =	vst v63  }
0x29: {  	s15 =	simm.s32 $0x1A00  }
0x2a: {  	[tilespmem:s15], [sflag:$0x1] =	stream.indirect_vreg.gather [hbm4b:s9+s3], $0x80, v5, vm0, $0xb8;
	[tilespmem:$0x12200] =	vst v63  }
0x2b: {  	_ = 	snop  }
0x2c: {  	[tilespmem:s17], [sflag:$0x1] =	stream.indirect_vreg.gather [hbm4b:s1+s3], $0x80, v4, vm0, $0xb8;
	[tilespmem:$0x12200] =	vst v63  }
0x2d: {  	s18 =	simm.s32 $0x2A00  }
0x2e: {  	[tilespmem:s18], [sflag:$0x1] =	stream.indirect_vreg.gather [hbm4b:s7+s3], $0x80, v4, vm0, $0xb8;
	[tilespmem:$0x12200] =	vst v63  }
0x2f: {  	s19 =	simm.s32 $0x3200  }
0x30: {  	[tilespmem:s19], [sflag:$0x1] =	stream.indirect_vreg.gather [hbm4b:s8+s3], $0x80, v4, vm0, $0xb8;
	[tilespmem:$0x12200] =	vst v63  }
0x31: {  	s20 =	simm.s32 $0x3A00  }
0x32: {  	[tilespmem:s20], [sflag:$0x1] =	stream.indirect_vreg.gather [hbm4b:s9+s3], $0x80, v4, vm0, $0xb8;
	[tilespmem:$0x12200] =	vst v63  }
0x33: {  	v4 =	vld [tilespmem:s14+$0x10];
	_ =	sdelay $0x4  }
0x34: {  	v5 =	vshll.u32 v4, $0x3  }
0x35: {  	v4 =	vand.u32 $0x7, v4;
	v5 =	vand.u32 $0xFFFFFFC0, v5  }
0x36: {  	v4 =	vor.u32 v4, v5  }
0x37: {  	v5 =	vperm.xlane v4, v0;
	_ =	sdelay $0x1  }
0x38: {  	v5 =	vadd.s32 v1, v5;
	_ =	sdelay $0x4  }
0x39: {  	[tilespmem:s21], [sflag:$0x1] =	stream.indirect_vreg.gather [hbm4b:s1+s3], $0x80, v5, vm0, $0xb8;
	[tilespmem:$0x12200] =	vst v63  }
0x3a: {  	s23 =	simm.s32 $0x4A00;
	v4 =	vperm.xlane v4, v2  }
0x3b: {  	[tilespmem:s23], [sflag:$0x1] =	stream.indirect_vreg.gather [hbm4b:s7+s3], $0x80, v5, vm0, $0xb8;
	[tilespmem:$0x12200] =	vst v63  }
0x3c: {  	s24 =	simm.s32 $0x5200;
	v4 =	vadd.s32 v1, v4  }
0x3d: {  	[tilespmem:s24], [sflag:$0x1] =	stream.indirect_vreg.gather [hbm4b:s8+s3], $0x80, v5, vm0, $0xb8;
	[tilespmem:$0x12200] =	vst v63  }
0x3e: {  	s26 =	simm.s32 $0x5A00  }
0x3f: {  	[tilespmem:s26], [sflag:$0x1] =	stream.indirect_vreg.gather [hbm4b:s9+s3], $0x80, v5, vm0, $0xb8;
	[tilespmem:$0x12200] =	vst v63  }
0x40: {  	_ = 	snop  }
0x41: {  	[tilespmem:s25], [sflag:$0x1] =	stream.indirect_vreg.gather [hbm4b:s1+s3], $0x80, v4, vm0, $0xb8;
	[tilespmem:$0x12200] =	vst v63  }
0x42: {  	s15 =	simm.s32 $0x6A00  }
0x43: {  	[tilespmem:s15], [sflag:$0x1] =	stream.indirect_vreg.gather [hbm4b:s7+s3], $0x80, v4, vm0, $0xb8;
	[tilespmem:$0x12200] =	vst v63  }
0x44: {  	s18 =	simm.s32 $0x7200  }
0x45: {  	[tilespmem:s18], [sflag:$0x1] =	stream.indirect_vreg.gather [hbm4b:s8+s3], $0x80, v4, vm0, $0xb8;
	[tilespmem:$0x12200] =	vst v63  }
0x46: {  	s11 =	simm.s32 @!p0 $0x3;
	s19 =	simm.s32 $0x7A00  }
0x47: {  	[tilespmem:s19], [sflag:$0x1] =	stream.indirect_vreg.gather [hbm4b:s9+s3], $0x80, v4, vm0, $0xb8;
	[tilespmem:$0x12200] =	vst v63  }
0x48: {  	_ =	swait.ge @!p0 [sflag:s11], $0x7000  }
0x49: {  	[sflag:s11] =	ssyncset.done @!p0 $0x0  }
0x4a: {  	[sflag:s11] =	ssyncadd.s32 @!p0 $0xFFFF9000  }
0x4b: {  	_ =	swait.ge @!p0 [sflag:s11], $0x1000  }
0x4c: {  	[sflag:s11] =	ssyncset.done @!p0 $0x0  }
0x4d: {  	[sflag:s11] =	ssyncadd.s32 @!p0 $0xFFFFF000;
	s11 =	sor.u32 $0x20, s14  }
0x4e: {  	v4 =	vld [tilespmem:s11+$0x0];
	_ =	sdelay $0x4  }
0x4f: {  	v5 =	vshll.u32 v4, $0x3  }
0x50: {  	v4 =	vand.u32 $0x7, v4;
	v5 =	vand.u32 $0xFFFFFFC0, v5  }
0x51: {  	v4 =	vor.u32 v4, v5  }
0x52: {  	v5 =	vperm.xlane v4, v0;
	_ =	sdelay $0x1  }
0x53: {  	v5 =	vadd.s32 v1, v5;
	_ =	sdelay $0x3  }
0x54: {  	s15 =	simm.s32 $0x0  }
0x55: {  	[tilespmem:s30], [sflag:$0x1] =	stream.indirect_vreg.gather [hbm4b:s1+s15], $0x80, v5, vm0, $0xb8;
	[tilespmem:$0x12200] =	vst v63  }
0x56: {  	s18 =	simm.s32 $0x8A00;
	v4 =	vperm.xlane v4, v2  }
0x57: {  	[tilespmem:s18], [sflag:$0x1] =	stream.indirect_vreg.gather [hbm4b:s7+s15], $0x80, v5, vm0, $0xb8;
	[tilespmem:$0x12200] =	vst v63  }
0x58: {  	s20 =	simm.s32 $0x9200;
	v4 =	vadd.s32 v1, v4  }
0x59: {  	[tilespmem:s20], [sflag:$0x1] =	stream.indirect_vreg.gather [hbm4b:s8+s15], $0x80, v5, vm0, $0xb8;
	[tilespmem:$0x12200] =	vst v63  }
0x5a: {  	s23 =	simm.s32 $0x9A00  }
0x5b: {  	[tilespmem:s23], [sflag:$0x1] =	stream.indirect_vreg.gather [hbm4b:s9+s15], $0x80, v5, vm0, $0xb8;
	[tilespmem:$0x12200] =	vst v63  }
0x5c: {  	_ = 	snop  }
0x5d: {  	[tilespmem:s6], [sflag:$0x1] =	stream.indirect_vreg.gather [hbm4b:s1+s15], $0x80, v4, vm0, $0xb8;
	[tilespmem:$0x12200] =	vst v63  }
0x5e: {  	s24 =	simm.s32 $0xAA00  }
0x5f: {  	[tilespmem:s24], [sflag:$0x1] =	stream.indirect_vreg.gather [hbm4b:s7+s15], $0x80, v4, vm0, $0xb8;
	[tilespmem:$0x12200] =	vst v63  }
0x60: {  	s26 =	simm.s32 $0xB200  }
0x61: {  	[tilespmem:s26], [sflag:$0x1] =	stream.indirect_vreg.gather [hbm4b:s8+s15], $0x80, v4, vm0, $0xb8;
	[tilespmem:$0x12200] =	vst v63  }
0x62: {  	s19 =	simm.s32 $0xBA00  }
0x63: {  	[tilespmem:s19], [sflag:$0x1] =	stream.indirect_vreg.gather [hbm4b:s9+s15], $0x80, v4, vm0, $0xb8;
	[tilespmem:$0x12200] =	vst v63  }
0x64: {  	v4 =	vld [tilespmem:s14+$0x30];
	_ =	sdelay $0x4  }
0x65: {  	v5 =	vshll.u32 v4, $0x3  }
0x66: {  	v4 =	vand.u32 $0x7, v4;
	v5 =	vand.u32 $0xFFFFFFC0, v5  }
0x67: {  	v4 =	vor.u32 v4, v5  }
0x68: {  	v5 =	vperm.xlane v4, v0;
	_ =	sdelay $0x1  }
0x69: {  	v5 =	vadd.s32 v1, v5;
	_ =	sdelay $0x4  }
0x6a: {  	[tilespmem:s16], [sflag:$0x1] =	stream.indirect_vreg.gather [hbm4b:s1+s15], $0x80, v5, vm0, $0xb8;
	[tilespmem:$0x12200] =	vst v63  }
0x6b: {  	s20 =	simm.s32 $0xCA00;
	v4 =	vperm.xlane v4, v2  }
0x6c: {  	[tilespmem:s20], [sflag:$0x1] =	stream.indirect_vreg.gather [hbm4b:s7+s15], $0x80, v5, vm0, $0xb8;
	[tilespmem:$0x12200] =	vst v63  }
0x6d: {  	s23 =	simm.s32 $0xD200;
	v4 =	vadd.s32 v1, v4  }
0x6e: {  	[tilespmem:s23], [sflag:$0x1] =	stream.indirect_vreg.gather [hbm4b:s8+s15], $0x80, v5, vm0, $0xb8;
	[tilespmem:$0x12200] =	vst v63  }
0x6f: {  	s24 =	simm.s32 $0xDA00  }
0x70: {  	[tilespmem:s24], [sflag:$0x1] =	stream.indirect_vreg.gather [hbm4b:s9+s15], $0x80, v5, vm0, $0xb8;
	[tilespmem:$0x12200] =	vst v63  }
0x71: {  	_ = 	snop  }
0x72: {  	[tilespmem:s22], [sflag:$0x1] =	stream.indirect_vreg.gather [hbm4b:s1+s15], $0x80, v4, vm0, $0xb8;
	[tilespmem:$0x12200] =	vst v63  }
0x73: {  	s26 =	simm.s32 $0xEA00  }
0x74: {  	[tilespmem:s26], [sflag:$0x1] =	stream.indirect_vreg.gather [hbm4b:s7+s15], $0x80, v4, vm0, $0xb8;
	[tilespmem:$0x12200] =	vst v63  }
0x75: {  	s19 =	simm.s32 $0xF200  }
0x76: {  	[tilespmem:s19], [sflag:$0x1] =	stream.indirect_vreg.gather [hbm4b:s8+s15], $0x80, v4, vm0, $0xb8;
	[tilespmem:$0x12200] =	vst v63  }
0x77: {  	s20 =	simm.s32 $0xFA00;
	s23 =	sand.u32 $0x7, s15  }
0x78: {  	[tilespmem:s20], [sflag:$0x1] =	stream.indirect_vreg.gather [hbm4b:s9+s15], $0x80, v4, vm0, $0xb8;
	[tilespmem:$0x12200] =	vst v63  }
0x79: {  	s18 =	sshll.u32 s23, $0x7;
	_ =	swait.ge [sflag:s12], $0x8000  }
0x7a: {  	s20 =	sadd.s32 $0x0, s18;
	[sflag:s12] =	ssyncset.done $0x0  }
0x7b: {  	s18 =	sor.u32 $0x1C00, s20;
	[sflag:s12] =	ssyncadd.s32 $0xFFFF8000  }
0x7c: {  	v4 =	vld [tilespmem:s18+$0x200];
	_ =	sdelay $0x3  }
0x7d: {  	s19 =	simm.s32 $0x10230  }
0x7e: {  	s24 =	sor.u32 $0x1C10, s20;
	[tilespmem:s19+$0xFFFFFFD0] =	vst v4  }
0x7f: {  	v4 =	vld [tilespmem:s24+$0x200];
	_ =	sdelay $0x4  }
0x80: {  	s26 =	sor.u32 $0x1C20, s20;
	[tilespmem:s19+$0xFFFFFFE0] =	vst v4  }
0x81: {  	v4 =	vld [tilespmem:s26+$0x200];
	_ =	sdelay $0x4  }
0x82: {  	s23 =	sor.u32 $0x1C30, s20;
	[tilespmem:s19+$0xFFFFFFF0] =	vst v4  }
0x83: {  	v4 =	vld [tilespmem:s23+$0x200];
	_ =	sdelay $0x4  }
0x84: {  	s24 =	sor.u32 $0x1C40, s20;
	[tilespmem:s19+$0x0] =	vst v4  }
0x85: {  	v4 =	vld [tilespmem:s24+$0x200];
	_ =	sdelay $0x4  }
0x86: {  	s26 =	sor.u32 $0x1C50, s20;
	[tilespmem:s19+$0x10] =	vst v4  }
0x87: {  	v4 =	vld [tilespmem:s26+$0x200];
	_ =	sdelay $0x4  }
0x88: {  	s20 =	sor.u32 $0x1C60, s20;
	s23 =	simm.s32 $0x0;
	[tilespmem:s19+$0x20] =	vst v4  }
0x89: {  	v5 =	vor.u32 s23, v3;
	v4 =	vld [tilespmem:s20+$0x200]  }
0x8a: {  	s18 =	simm.s32 $0x1  }
0x8b: {  	s23 =	simm.s32 $0x1;
	s24 =	sand.u32 $0x7, s18;
	s20 =	simm.s32 $0x2  }
.LBB2_3:
0x8c: {  	p0 =	sne.s32 s20, $0x1F;
	s24 =	sshll.u32 s24, $0x7;
	s15 =	sadd.s32 $0x400, s15  }
0x8d: {  	s24 =	sadd.s32 s24, s15  }
0x8e: {  	s26 =	sor.u32 $0x1C00, s24;
	[tilespmem:v5+s28+$0x0] =	vst.idx.msk $0xff, v4  }
0x8f: {  	v4 =	vld [tilespmem:s26+$0x200];
	_ =	sdelay $0x3  }
0x90: {  	s19 =	sadd.s32 $0x80, s19  }
0x91: {  	s26 =	sor.u32 $0x1C10, s24;
	[tilespmem:s19+$0xFFFFFFD0] =	vst v4  }
0x92: {  	v4 =	vld [tilespmem:s26+$0x200];
	_ =	sdelay $0x4  }
0x93: {  	s26 =	sor.u32 $0x1C20, s24;
	[tilespmem:s19+$0xFFFFFFE0] =	vst v4  }
0x94: {  	v4 =	vld [tilespmem:s26+$0x200];
	_ =	sdelay $0x4  }
0x95: {  	s26 =	sor.u32 $0x1C30, s24;
	[tilespmem:s19+$0xFFFFFFF0] =	vst v4  }
0x96: {  	v4 =	vld [tilespmem:s26+$0x200];
	_ =	sdelay $0x4  }
0x97: {  	s26 =	sor.u32 $0x1C40, s24;
	[tilespmem:s19+$0x0] =	vst v4  }
0x98: {  	v4 =	vld [tilespmem:s26+$0x200];
	_ =	sdelay $0x4  }
0x99: {  	s26 =	sor.u32 $0x1C50, s24;
	[tilespmem:s19+$0x10] =	vst v4  }
0x9a: {  	v4 =	vld [tilespmem:s26+$0x200];
	_ =	sdelay $0x3  }
.Ltmp0:
0x9b: {  	(pc) =	sbr.rel @p0 .LBB2_3-.Ltmp0, $4  }
0x9c: {  	s24 =	sor.u32 $0x1C60, s24;
	s26 =	sshll.u32 s18, $0x7;
	s18 =	smov.u32 s20;
	[tilespmem:s19+$0x20] =	vst v4  }
0x9d: {  	v5 =	vor.u32 s26, v3;
	v4 =	vld [tilespmem:s24+$0x200]  }
0x9e: {  	s23 =	sadd.s32 $0x1, s23  }
0x9f: {  	s20 =	sadd.s32 $0x1, s20;
	s24 =	sand.u32 $0x7, s23  }
0xa0: {  	_ =	sdelay $0x1  }
0xa1: {  	s20 =	sshll.u32 s24, $0x7;
	s15 =	sadd.s32 $0x400, s15  }
0xa2: {  	s15 =	sadd.s32 s20, s15  }
0xa3: {  	s20 =	sor.u32 $0x1C00, s15;
	[tilespmem:v5+s28+$0x0] =	vst.idx.msk $0xff, v4  }
0xa4: {  	v4 =	vld [tilespmem:s20+$0x200];
	_ =	sdelay $0x3  }
0xa5: {  	s19 =	sadd.s32 $0x80, s19  }
0xa6: {  	s24 =	sor.u32 $0x1C10, s15;
	[tilespmem:s19+$0xFFFFFFD0] =	vst v4  }
0xa7: {  	v4 =	vld [tilespmem:s24+$0x200];
	_ =	sdelay $0x4  }
0xa8: {  	s26 =	sor.u32 $0x1C20, s15;
	[tilespmem:s19+$0xFFFFFFE0] =	vst v4  }
0xa9: {  	v4 =	vld [tilespmem:s26+$0x200];
	_ =	sdelay $0x4  }
0xaa: {  	s23 =	sor.u32 $0x1C30, s15;
	[tilespmem:s19+$0xFFFFFFF0] =	vst v4  }
0xab: {  	v4 =	vld [tilespmem:s23+$0x200];
	_ =	sdelay $0x4  }
0xac: {  	s24 =	sor.u32 $0x1C40, s15;
	[tilespmem:s19+$0x0] =	vst v4  }
0xad: {  	v4 =	vld [tilespmem:s24+$0x200];
	_ =	sdelay $0x4  }
0xae: {  	s26 =	sor.u32 $0x1C50, s15;
	[tilespmem:s19+$0x10] =	vst v4  }
0xaf: {  	v4 =	vld [tilespmem:s26+$0x200];
	_ =	sdelay $0x4  }
0xb0: {  	s18 =	sshll.u32 s18, $0x7;
	s15 =	sor.u32 $0x1C60, s15;
	[tilespmem:s19+$0x20] =	vst v4  }
0xb1: {  	v5 =	vor.u32 s18, v3;
	v4 =	vld [tilespmem:s15+$0x200];
	_ =	sdelay $0x2  }
0xb2: {  	s14 =	sor.u32 s4, s14  }
0xb3: {  	s23 =	sshll.u32 s14, $0x7  }
0xb4: {  	s14 =	simm.s32 $0x0;
	s24 =	sadd.s32 s5, s23;
	[tilespmem:v5+s28+$0x0] =	vst.idx.msk $0xff, v4  }
0xb5: {  	[hbm4b:s24+s14] =	stream.linear.scatter [tilespmem:s13], [sflag:$0x2], $0x1C00, $0x38;
	[tilespmem:$0x12200] =	vst v63  }
0xb6: {  	s26 =	sadd.s32 $0x400, s24  }
0xb7: {  	[hbm4b:s26+s14] =	stream.linear.scatter [tilespmem:s17], [sflag:$0x2], $0x1C00, $0x38;
	[tilespmem:$0x12200] =	vst v63  }
0xb8: {  	s20 =	sadd.s32 $0x800, s24  }
0xb9: {  	[hbm4b:s20+s14] =	stream.linear.scatter [tilespmem:s21], [sflag:$0x2], $0x1C00, $0x38;
	[tilespmem:$0x12200] =	vst v63  }
0xba: {  	s18 =	sadd.s32 $0xC00, s24  }
0xbb: {  	[hbm4b:s18+s14] =	stream.linear.scatter [tilespmem:s25], [sflag:$0x2], $0x1C00, $0x38;
	[tilespmem:$0x12200] =	vst v63  }
0xbc: {  	s15 =	sadd.s32 s23, s10;
	s23 =	sand.u32 $0x7, s14  }
0xbd: {  	[hbm4b:s15+s29] =	stream.strided.scatter [tilespmem:s28], [sflag:$0x2], $0x1000, s31, s29, $0x38;
	[tilespmem:$0x12200] =	vst v63  }
0xbe: {  	s15 =	sshll.u32 s23, $0x7;
	_ =	swait.ge [sflag:s12], $0x8000  }
0xbf: {  	s19 =	sadd.s32 $0x0, s15;
	[sflag:s12] =	ssyncset.done $0x0  }
0xc0: {  	s15 =	sor.u32 $0x1C00, s19;
	[sflag:s12] =	ssyncadd.s32 $0xFFFF8000  }
0xc1: {  	v4 =	vld [tilespmem:s15+$0x8200];
	_ =	sdelay $0x3  }
0xc2: {  	s18 =	simm.s32 $0x11230  }
0xc3: {  	s24 =	sor.u32 $0x1C10, s19;
	[tilespmem:s18+$0xFFFFFFD0] =	vst v4  }
0xc4: {  	v4 =	vld [tilespmem:s24+$0x8200];
	_ =	sdelay $0x4  }
0xc5: {  	s26 =	sor.u32 $0x1C20, s19;
	[tilespmem:s18+$0xFFFFFFE0] =	vst v4  }
0xc6: {  	v4 =	vld [tilespmem:s26+$0x8200];
	_ =	sdelay $0x4  }
0xc7: {  	s20 =	sor.u32 $0x1C30, s19;
	[tilespmem:s18+$0xFFFFFFF0] =	vst v4  }
0xc8: {  	v4 =	vld [tilespmem:s20+$0x8200];
	_ =	sdelay $0x4  }
0xc9: {  	s23 =	sor.u32 $0x1C40, s19;
	[tilespmem:s18+$0x0] =	vst v4  }
0xca: {  	v4 =	vld [tilespmem:s23+$0x8200];
	_ =	sdelay $0x4  }
0xcb: {  	s24 =	sor.u32 $0x1C50, s19;
	[tilespmem:s18+$0x10] =	vst v4  }
0xcc: {  	v4 =	vld [tilespmem:s24+$0x8200];
	_ =	sdelay $0x4  }
0xcd: {  	s19 =	sor.u32 $0x1C60, s19;
	s26 =	simm.s32 $0x0;
	[tilespmem:s18+$0x20] =	vst v4  }
0xce: {  	v5 =	vor.u32 s26, v3;
	v4 =	vld [tilespmem:s19+$0x8200]  }
0xcf: {  	s15 =	simm.s32 $0x1  }
0xd0: {  	s20 =	simm.s32 $0x1;
	s23 =	sand.u32 $0x7, s15;
	s19 =	simm.s32 $0x2  }
.LBB2_5:
0xd1: {  	p0 =	sne.s32 s19, $0x1F;
	s23 =	sshll.u32 s23, $0x7;
	s14 =	sadd.s32 $0x400, s14  }
0xd2: {  	s23 =	sadd.s32 s23, s14  }
0xd3: {  	s24 =	sor.u32 $0x1C00, s23;
	[tilespmem:v5+s0+$0x0] =	vst.idx.msk $0xff, v4  }
0xd4: {  	v4 =	vld [tilespmem:s24+$0x8200];
	_ =	sdelay $0x3  }
0xd5: {  	s18 =	sadd.s32 $0x80, s18  }
0xd6: {  	s24 =	sor.u32 $0x1C10, s23;
	[tilespmem:s18+$0xFFFFFFD0] =	vst v4  }
0xd7: {  	v4 =	vld [tilespmem:s24+$0x8200];
	_ =	sdelay $0x4  }
0xd8: {  	s24 =	sor.u32 $0x1C20, s23;
	[tilespmem:s18+$0xFFFFFFE0] =	vst v4  }
0xd9: {  	v4 =	vld [tilespmem:s24+$0x8200];
	_ =	sdelay $0x4  }
0xda: {  	s24 =	sor.u32 $0x1C30, s23;
	[tilespmem:s18+$0xFFFFFFF0] =	vst v4  }
0xdb: {  	v4 =	vld [tilespmem:s24+$0x8200];
	_ =	sdelay $0x4  }
0xdc: {  	s24 =	sor.u32 $0x1C40, s23;
	[tilespmem:s18+$0x0] =	vst v4  }
0xdd: {  	v4 =	vld [tilespmem:s24+$0x8200];
	_ =	sdelay $0x4  }
0xde: {  	s24 =	sor.u32 $0x1C50, s23;
	[tilespmem:s18+$0x10] =	vst v4  }
0xdf: {  	v4 =	vld [tilespmem:s24+$0x8200];
	_ =	sdelay $0x3  }
.Ltmp1:
0xe0: {  	(pc) =	sbr.rel @p0 .LBB2_5-.Ltmp1, $4  }
0xe1: {  	s23 =	sor.u32 $0x1C60, s23;
	s24 =	sshll.u32 s15, $0x7;
	s15 =	smov.u32 s19;
	[tilespmem:s18+$0x20] =	vst v4  }
0xe2: {  	v5 =	vor.u32 s24, v3;
	v4 =	vld [tilespmem:s23+$0x8200]  }
0xe3: {  	s20 =	sadd.s32 $0x1, s20  }
0xe4: {  	s19 =	sadd.s32 $0x1, s19;
	s23 =	sand.u32 $0x7, s20  }
0xe5: {  	_ =	sdelay $0x1  }
0xe6: {  	s19 =	sshll.u32 s23, $0x7;
	s14 =	sadd.s32 $0x400, s14  }
0xe7: {  	s14 =	sadd.s32 s19, s14  }
0xe8: {  	s19 =	sor.u32 $0x1C00, s14;
	[tilespmem:v5+s0+$0x0] =	vst.idx.msk $0xff, v4  }
0xe9: {  	v4 =	vld [tilespmem:s19+$0x8200];
	_ =	sdelay $0x3  }
0xea: {  	s18 =	sadd.s32 $0x80, s18  }
0xeb: {  	s20 =	sor.u32 $0x1C10, s14;
	[tilespmem:s18+$0xFFFFFFD0] =	vst v4  }
0xec: {  	v4 =	vld [tilespmem:s20+$0x8200];
	_ =	sdelay $0x4  }
0xed: {  	s23 =	sor.u32 $0x1C20, s14;
	[tilespmem:s18+$0xFFFFFFE0] =	vst v4  }
0xee: {  	v4 =	vld [tilespmem:s23+$0x8200];
	_ =	sdelay $0x4  }
0xef: {  	s24 =	sor.u32 $0x1C30, s14;
	[tilespmem:s18+$0xFFFFFFF0] =	vst v4  }
0xf0: {  	v4 =	vld [tilespmem:s24+$0x8200];
	_ =	sdelay $0x4  }
0xf1: {  	s26 =	sor.u32 $0x1C40, s14;
	[tilespmem:s18+$0x0] =	vst v4  }
0xf2: {  	v4 =	vld [tilespmem:s26+$0x8200];
	_ =	sdelay $0x4  }
0xf3: {  	s20 =	sor.u32 $0x1C50, s14;
	[tilespmem:s18+$0x10] =	vst v4  }
0xf4: {  	v4 =	vld [tilespmem:s20+$0x8200];
	_ =	sdelay $0x4  }
0xf5: {  	s15 =	sshll.u32 s15, $0x7;
	s14 =	sor.u32 $0x1C60, s14;
	[tilespmem:s18+$0x20] =	vst v4  }
0xf6: {  	v5 =	vor.u32 s15, v3;
	v4 =	vld [tilespmem:s14+$0x8200];
	_ =	sdelay $0x2  }
0xf7: {  	s11 =	sor.u32 s4, s11  }
0xf8: {  	s11 =	sshll.u32 s11, $0x7  }
0xf9: {  	s23 =	sadd.s32 s5, s11;
	[tilespmem:v5+s0+$0x0] =	vst.idx.msk $0xff, v4  }
0xfa: {  	[hbm4b:s23+s3] =	stream.linear.scatter [tilespmem:s30], [sflag:$0x3], $0x1C00, $0x38;
	[tilespmem:$0x12200] =	vst v63  }
0xfb: {  	s2 =	sadd.s32 $0x1, s2;
	s24 =	sadd.s32 $0x400, s23  }
0xfc: {  	[hbm4b:s24+s3] =	stream.linear.scatter [tilespmem:s6], [sflag:$0x3], $0x1C00, $0x38;
	[tilespmem:$0x12200] =	vst v63  }
0xfd: {  	p0 =	sne.s32 s2, $0x8;
	s26 =	sadd.s32 $0x800, s23  }
0xfe: {  	[hbm4b:s26+s3] =	stream.linear.scatter [tilespmem:s16], [sflag:$0x3], $0x1C00, $0x38;
	[tilespmem:$0x12200] =	vst v63  }
.Ltmp2:
0xff: {  	_ = 	snop;
	(pc) =	sbr.rel @p0 .LBB2_2-.Ltmp2, $4  }
0x100: {  	s14 =	sadd.s32 $0xC00, s23  }
0x101: {  	[hbm4b:s14+s3] =	stream.linear.scatter [tilespmem:s22], [sflag:$0x3], $0x1C00, $0x38;
	[tilespmem:$0x12200] =	vst v63  }
0x102: {  	s11 =	sadd.s32 s11, s10  }
0x103: {  	[hbm4b:s11+s29] =	stream.strided.scatter [tilespmem:s0], [sflag:$0x3], $0x1000, s31, s29, $0x38;
	[tilespmem:$0x12200] =	vst v63  }
0x104: {  	s2 =	simm.s32 $0x2  }
0x105: {  	_ =	swait.ge [sflag:s2], $0x7000  }
0x106: {  	[sflag:s2] =	ssyncset.done $0x0  }
0x107: {  	[sflag:s2] =	ssyncadd.s32 $0xFFFF9000  }
0x108: {  	_ =	swait.ge [sflag:s2], $0x1000  }
0x109: {  	[sflag:s2] =	ssyncset.done $0x0  }
0x10a: {  	s11 =	simm.s32 $0x3;
	[sflag:s2] =	ssyncadd.s32 $0xFFFFF000  }
0x10b: {  	_ =	swait.ge [sflag:s11], $0x7000  }
0x10c: {  	[sflag:s11] =	ssyncset.done $0x0  }
0x10d: {  	[sflag:s11] =	ssyncadd.s32 $0xFFFF9000  }
0x10e: {  	_ =	swait.ge [sflag:s11], $0x1000  }
0x10f: {  	s14 =	rddreg [dreg:$0x6]  }
0x110: {  	s26 =	rddreg [dreg:$0x5];
	s14 =	sadd.s32 $0x1, s14  }
0x111: {  	p0 =	sne.s32 s14, s26  }
.Ltmp3:
0x112: {  	_ = 	snop;
	(pc) =	sbr.rel @p0 .LBB2_1-.Ltmp3, $3  }
0x113: {  	_ =	sdelay $0x1  }
0x114: {  	[sflag:s11] =	ssyncset.done $0x0  }
0x115: {  	[sflag:s11] =	ssyncadd.s32 $0xFFFFF000  }
0x116: {  	_ =	sfence.sel $0x180000  }
0x117: {  	[bflag:$0x0] =	sbarrier.arrive $0xFFFF  }
0x118: {  	_ =	strace $0x90000047  }
0x119: {  	s0 =	stileid.u32;
	[bflag:$0x2] =	sbarrier.arrive $0xFFFF  }
0x11a: {  	p0 =	sne.s32 s0, $0x0;
	s0 =	rddreg [dreg:$0x3]  }
0x11b: {  	s0 =	sadd.s32 @!p0 $0x100000, s0  }
0x11c: {  	[sflag:s0] =	ssyncadd.tile.s32 @!p0 $0x1;
	_ =	shalt  }
.Lfunc_end2:
_tile_overlayer_lowered:
.L_overlay_start_2:
0x11d: {  	(tag) =	ssettag $0x2  }
0x11e: {  	s0 =	rddreg [dreg:$0x0];
	s2 =	stileid.u32  }
0x11f: {  	s1 =	rddreg [dreg:$0x1];
	p0 =	sne.s32 s2, $0x0  }
0x120: {  	s3 =	rddreg [dreg:$0x2];
	[bflag:$0x3] =	sbarrier.arrive $0xFFFF;
	s2 =	simm.s32 @!p0 $0x1C04  }
0x121: {  	[timem:s3], [sflag:s2] =	dma.local @!p0 [hbm:s0], s1  }
0x122: {  	s0 =	simm.s32 @!p0 $0x4  }
0x123: {  	_ =	swait.ge @!p0 [sflag:s0], s1  }
0x124: {  	s1 =	ssub.s32 @!p0 $0x0, s1;
	[sflag:s0] =	ssyncset.done @!p0 $0x0  }
0x125: {  	[sflag:s0] =	ssyncadd.s32 @!p0 s1  }
0x126: {  	[bflag:$0x3] =	sbarrier.arrive $0xFFFF  }
0x127: {  	_ =	shalt  }

// kernel: sparse-core-data-format-call.cloned.1.call-start
scs
called_computation_lowered:
.L_overlay_start_0:
0x0: {  	s2 =	sld [smem:$0x3FD9]  }
0x1: {  	s3 =	sld [smem:$0x3FFE];
	_ =	sdelay $0x1  }
0x2: {  	s1 =	srdreg.scid  }
0x3: {  	s0 =	sand.u32 $0x1, s1  }
0x4: {  	s18 =	sshll.u32 s0, $0xA;
	s2 =	sadd.s32 s3, s2  }
0x5: {  	s2 =	sadd.s32 s2, s18  }
0x6: {  	[smem:$0x3FC5] =	sst s2  }
0x7: {  	_ = 	snop  }
0x8: {  	s2 =	sld [smem:$0x3FD0];
	(tm) =	ssettm $0x1  }
0x9: {  	s19 =	sld [smem:$0x3FFB];
	_ =	sdelay $0x3  }
0xa: {  	_ =	strace s19  }
0xb: {  	s3 =	sld [smem:$0x3FFC];
	_ =	sdelay $0x3  }
0xc: {  	_ =	strace s3  }
0xd: {  	s3 =	sld [smem:$0x3FFD];
	_ =	sdelay $0x3  }
0xe: {  	_ =	strace s3  }
0xf: {  	_ =	strace $0x8FFFFFFF  }
0x10: {  	s20 =	sld [smem:$0x3FDB];
	_ =	sdelay $0x1  }
0x11: {  	s4 =	simm.s32 $_scs_section_size  }
0x12: {  	s5 =	simm.s32 $_size__tile_overlayer_lowered;
	s6 =	simm.s32 $_tile_overlayer_lowered  }
0x13: {  	s23 =	simm.s32 $0x1BFF;
	s22 =	sshll.u32 s6, $0x1;
	s3 =	sadd.s32 s4, s20  }
0x14: {  	s7 =	simm.s32 $0x0;
	s21 =	sshll.u32 s5, $0x1;
	s5 =	sadd.s32 s22, s3  }
0x15: {  	[timem:s7], [sflag:s23] =	dma.local [hbm:s5], s21  }
0x16: {  	_ =	swait.ge [sflag:s23], s21  }
0x17: {  	s4 =	ssub.s32 $0x0, s21;
	[sflag:s23] =	ssyncset.done $0x0  }
0x18: {  	[sflag:s23] =	ssyncadd.s32 s4;
	_ =	sdelay $0x1  }
0x19: {  	s24 =	simm.s32 $0x1B8B  }
0x1a: {  	_ =	swait.ge [sflag:s24], $0x1  }
0x1b: {  	[sflag:s24] =	ssyncset.done $0x0  }
0x1c: {  	s26 =	simm.s32 $0x1B8E;
	s25 =	sld [smem:$0x3FFE];
	[sflag:s24] =	ssyncadd.s32 $0xFFFFFFFF  }
0x1d: {  	s27 =	simm.s32 $execute0_lowered;
	[smem:$0x3FD2] =	sst s26  }
0x1e: {  	s5 =	sshll.u32 s27, $0x1;
	_ =	strace $0x80000049;
	[dreg:$0x1] =	wrdreg $0xFFFFFFFF  }
0x1f: {  	s28 =	simm.s32 $_size_execute0_lowered;
	s3 =	sadd.s32 s3, s5;
	[dreg:$0x0] =	wrdreg $0x0  }
0x20: {  	s5 =	sshll.u32 s28, $0x1;
	[dreg:$0x2] =	wrdreg s3  }
0x21: {  	[dreg:$0x3] =	wrdreg s5  }
0x22: {  	[dreg:$0x4] =	wrdreg $0xC0  }
0x23: {  	_ =	task [dreg:s7], $0x5FFFF  }
0x24: {  	[dreg:$0x1] =	wrdreg $0xFFFFFFFF  }
0x25: {  	[dreg:$0x0] =	wrdreg $0x60  }
0x26: {  	[dreg:$0x2] =	wrdreg s25  }
0x27: {  	[dreg:$0x3] =	wrdreg s2  }
0x28: {  	[dreg:$0x4] =	wrdreg $0x9  }
0x29: {  	_ =	task.clear_ibuf [dreg:s7], $0x5FFFF;
	_ =	strace $0x90000049  }
0x2a: {  	s29 =	simm.s32 $0x9;
	_ =	strace $0x8000004B  }
0x2b: {  	_ =	swait.ge [sflag:s29], $0x1  }
0x2c: {  	[sflag:s29] =	ssyncadd.s32 $0xFFFFFFFF  }
0x2d: {  	_ =	strace $0x9000004B  }
0x2e: {  	_ =	sfence  }
0x2f: {  	s30 =	sld [smem:$0x0];
	_ =	sdelay $0x2  }
0x30: {  	s31 =	sshll.u32 s1, $0xD;
	s1 =	sshrl.u32 s1, $0x2  }
0x31: {  	s3 =	sand.u32 $0x4000, s31;
	s1 =	sadd.s32 s1, s30  }
0x32: {  	s0 =	sor.u32 s3, s0;
	s1 =	sshll.u32 s1, $0x11  }
0x33: {  	s0 =	sor.u32 s1, s0  }
0x34: {  	s0 =	sadd.s32 $0x8F2B, s0  }
0x35: {  	[sflag:s0] =	ssyncadd.remote.s32 $0x1  }
0x36: {  	_ =	sfence.sel $0xFFFF  }
0x37: {  	[dreg:$0x0] =	wrdreg $0xFFFFFFFF;
	(pc) =	sbr.abs _section_cstart, $3  }
0x38: {  	[dreg:$0x1] =	wrdreg $0xFFFFFFFF  }
0x39: {  	_ =	task.clear_ibuf [dreg:s7], $0x2FFFF;
	_ =	strace $0x9FFFFFFF  }
0x3a: {  	(tm) =	ssettm $0x7FFFFFFF  }
0x3b: {  	_ =	shalt  }
tec
execute0_lowered:
.L_overlay_start_1:
0x0: {  	(tag) =	ssettag $0x1  }
0x1: {  	s0 =	srdreg.scid;
	s5 =	rddreg [dreg:$0x0]  }
0x2: {  	s3 =	rddreg [dreg:$0x1];
	s1 =	sshll.u32 s0, $0x4  }
0x3: {  	s7 =	simm.s32 $0x1;
	s0 =	stileid.u32;
	s1 =	sand.u32 $0x10, s1  }
0x4: {  	s8 =	simm.s32 $0x2;
	s15 =	simm.s32 $0x0;
	s1 =	sor.u32 s0, s1  }
0x5: {  	s14 =	simm.s32 $0x0;
	s9 =	simm.s32 $0x0;
	s2 =	sshll.u32 s1, $0x7  }
0x6: {  	s10 =	simm.s32 $0x0;
	s11 =	simm.s32 $0x0;
	s6 =	ssub.s32 $0x4000, s2  }
0x7: {  	s13 =	simm.s32 $0x0;
	s5 =	sadd.s32 $0xA00, s5;
	s4 =	sand.u32 $0xF80, s6  }
.Ltmp0:
0x8: {  	s1 =	rddreg [dreg:$0x2];
	p0 =	sne.s32 s4, $0x0;
	(pc) =	sbr.rel .LBB1_1-.Ltmp0, $4  }
0x9: {  	_ =	strace $0x8000004A;
	s6 =	sshrl.u32 s6, $0xC;
	s7 =	simm.s32 @!p0 $0x0  }
0xa: {  	s12 =	smov.u32 s2;
	s4 =	simm.s32 $0x1;
	s6 =	sadd.s32 s7, s6  }
0xb: {  	[sflag:s4] =	ssyncpa.u1 $0x0;
	p0 =	por $0x0, $0x0;
	s6 =	sshll.u32 s6, $0x3  }
0xc: {  	[sflag:s8] =	ssyncpa.u1 $0x0;
	s8 =	simm.s32 $0x20000;
	s7 =	sor.u32 $0x1, s6  }
.LBB1_4:
0xd: {  	s20 =	sshra.s32 s20, $0x2  }
0xe: {  	s28 =	sand.u32 $0x78, s10;
	s21 =	sshll.u32 s9, $0xE;
	s22 =	sshll.u32 s10, $0x3  }
0xf: {  	s24 =	sshll.u32 s9, $0x7;
	p1 =	sgt.s32 s9, $0x368;
	s30 =	sshra.s32 s9, $0x1F  }
0x10: {  	s26 =	sshra.s32 s10, $0x1F;
	s19 =	sadd.s32 s20, s19;
	s21 =	sand.u32 $0xFFFE0000, s21  }
0x11: {  	v5 =	vld [tilespmem:s17+$0xFFFFFFD0];
	[tilespmem:s18+$0x2040 ss:$0x81] =	vst.msk $0xffff, v4;
	s23 =	sand.u32 $0xFFFFFC00, s22;
	s29 =	sand.u32 $0x380, s24;
	s22 =	sand.u32 $0x3C00, s22  }
0x12: {  	v58 =	vld [tilespmem:s17+$0xFFFFFFE0];
	[tilespmem:s18+$0x2850 ss:$0x81] =	vst.msk $0xffff, v3;
	s21 =	sadd.s32 s23, s21;
	s20 =	sor.u32 s28, s22;
	s22 =	smov.u32 s9  }
0x13: {  	v59 =	vld [tilespmem:s17+$0xFFFFFFF0];
	[tilespmem:s18+$0x3060 ss:$0x81] =	vst.msk $0xffff, v2;
	s24 =	sand.u32 s30, s9;
	s21 =	sshrl.u32 s21, $0xE;
	s22 =	simm.s32 @!p1 $0x368  }
0x14: {  	v60 =	vld [tilespmem:s17+$0x0];
	[tilespmem:s18+$0x0 ss:$0x81] =	vst.msk $0xffff, v1;
	p1 =	sgt.s32 s10, $0x3F80;
	s31 =	ssub.s32 s22, s24;
	s22 =	smov.u32 s10  }
0x15: {  	v61 =	vld [tilespmem:s17+$0x10];
	[tilespmem:s19+$0x3870 ss:$0x81] =	vst.msk $0xffff, v0;
	s25 =	smulhi.u32 $0x418938, s21;
	s24 =	sand.u32 s26, s10;
	s22 =	simm.s32 @!p1 $0x3F80  }
0x16: {  	v62 =	vld [tilespmem:s17+$0x20];
	s20 =	sor.u32 s29, s20;
	[tilespmem:s19+$0x810 ss:$0x81] =	vst.msk $0xffff, v5;
	s27 =	sadd.s32 $0xFFFFFC98, s31;
	s22 =	ssub.s32 s22, s24  }
0x17: {  	v63 =	vld [tilespmem:s17+$0xFFFFFFC0];
	[tilespmem:s19+$0x1020 ss:$0x81] =	vst.msk $0xffff, v58;
	s18 =	ssub.s32 $0x3E8, s31;
	s28 =	smul.u32 $0x3E8, s25;
	s29 =	sadd.s32 $0xFFFFC080, s22  }
0x18: {  	[tilespmem:s19+$0x1830 ss:$0x81] =	vst.msk $0xffff, v59;
	p1 =	sgt.s32 s27, $0x7F;
	s22 =	ssub.s32 $0x4000, s22;
	p2 =	sgt.s32 s29, $0x7F  }
0x19: {  	s30 =	sand.u32 $0x7, s10;
	[tilespmem:s19+$0x2040 ss:$0x81] =	vst.msk $0xffff, v60;
	s18 =	simm.s32 @p1 $0x0;
	s22 =	simm.s32 @p2 $0x0  }
0x1a: {  	s20 =	sshrl.u32 s20, $0x3;
	[tilespmem:s19+$0x2850 ss:$0x81] =	vst.msk $0xffff, v61;
	s17 =	ssub.s32 s21, s28;
	s18 =	smul.u32 s22, s18  }
0x1b: {  	[tilespmem:s19+$0x3060 ss:$0x81] =	vst.msk $0xffff, v62;
	s20 =	sadd.s32 s3, s20;
	s21 =	sshll.u32 s30, $0x12;
	s17 =	sshll.u32 s17, $0xB  }
0x1c: {  	[tilespmem:s19+$0x0 ss:$0x81] =	vst.msk $0xffff, v63;
	s31 =	sor.u32 $0x400, s21;
	s17 =	sadd.s32 s17, s20;
	s18 =	sand.u32 $0x3FFFFFFF, s18  }
0x1d: {  	[hbm4b:s17+s31] =	stream.strided.scatter [tilespmem:s16], [sflag:$0x2], s18, s8, s31, $0x20;
	[tilespmem:$0x10100] =	vst v63  }
.LBB1_5:
0x1e: {  	p1 =	slt.u32 s13, $0x2  }
0x1f: {  	s17 =	smov.u32 s15;
	p2 =	sgt.s32 @!p1 s15, $0x368;
	s16 =	sshra.s32 @!p1 s15, $0x1F  }
0x20: {  	p3 =	sgt.s32 @!p1 s14, $0x3F80;
	s18 =	sshra.s32 @!p1 s14, $0x1F;
	p2 =	por !p2, p1  }
0x21: {  	s15 =	sand.u32 @!p1 s16, s15;
	p3 =	por !p3, p1;
	s16 =	smov.u32 s14  }
0x22: {  	s14 =	sand.u32 @!p1 s18, s14;
	s17 =	simm.s32 @p2 $0x368;
	s16 =	simm.s32 @p3 $0x3F80  }
0x23: {  	s15 =	ssub.s32 @!p1 s17, s15;
	s14 =	ssub.s32 @!p1 s16, s14  }
0x24: {  	s18 =	smov.u32 s12;
	s16 =	sadd.s32 @!p1 $0xFFFFFC98, s15;
	s17 =	sadd.s32 @!p1 $0xFFFFC080, s14  }
0x25: {  	s15 =	ssub.s32 @!p1 $0x3E8, s15;
	p2 =	sgt.s32 @!p1 s16, $0x7F;
	p3 =	sgt.s32 @!p1 s17, $0x7F  }
0x26: {  	s14 =	ssub.s32 @!p1 $0x4000, s14;
	p2 =	por !p2, p1;
	p3 =	por !p3, p1  }
0x27: {  	s16 =	sadd.s32 $0x80, s11;
	s15 =	simm.s32 @!p2 $0x0;
	s14 =	simm.s32 @!p3 $0x0  }
0x28: {  	p2 =	sgt.s32 s16, $0x3E7;
	s14 =	smul.u32 @!p1 s14, s15;
	s15 =	sadd.s32 $0x1000, s12  }
0x29: {  	s18 =	smov.u32 @p2 s15  }
0x2a: {  	s16 =	simm.s32 @p2 $0x0;
	p2 =	sgt.s32 s18, $0x3FFF  }
0x2b: {  	s18 =	smov.u32 @p2 s2;
	p2 =	sne.s32 s13, s7  }
.Ltmp1:
0x2c: {  	p0 =	por !p0, !p0;
	s17 =	simm.s32 @!p1 $0x2;
	(pc) =	sbr.rel @!p2 .LBB1_6-.Ltmp1, $4  }
0x2d: {  	s15 =	smov.u32 s9;
	s9 =	smov.u32 s11;
	s14 =	sand.u32 @!p1 $0x3FFFFFFF, s14  }
0x2e: {  	s11 =	smov.u32 s16;
	_ =	swait.ge @!p1 [sflag:s17], s14;
	s19 =	ssub.s32 @!p1 $0x0, s14  }
0x2f: {  	s14 =	smov.u32 s10;
	s13 =	sadd.s32 $0x1, s13;
	[sflag:s17] =	ssyncset.done @!p1 $0x0  }
0x30: {  	s10 =	smov.u32 s12;
	s12 =	smov.u32 s18;
	[sflag:s17] =	ssyncadd.s32 @!p1 s19  }
.LBB1_1:
0x31: {  	p1 =	sge.u32 s13, s6  }
0x32: {  	s31 =	sadd.s32 $0xFFFFFFFF, s13;
	s16 =	sshll.u32 @!p1 s12, $0xA  }
0x33: {  	s17 =	sshll.u32 @!p1 s11, $0x3;
	s18 =	sshll.u32 @!p1 s12, $0x7;
	s16 =	sand.u32 @!p1 $0xFFE000, s16  }
0x34: {  	s19 =	sand.u32 @!p1 $0x78, s11;
	s16 =	sadd.s32 @!p1 s16, s17;
	s17 =	sand.u32 @!p1 $0x380, s18  }
0x35: {  	s18 =	sxor.u32 @!p1 $0xFFFFFFFF, s13;
	s17 =	sor.u32 @!p1 s19, s17;
	s16 =	sand.u32 @!p1 $0xFFFC00, s16  }
0x36: {  	s18 =	sshll.u32 @!p1 s18, $0xE;
	s16 =	sor.u32 @!p1 s16, s17;
	s17 =	sand.u32 @!p1 $0x7, s11  }
0x37: {  	s19 =	simm.s32 @!p1 $0x2000;
	s16 =	sshrl.u32 @!p1 s16, $0x3;
	s17 =	sshll.u32 @!p1 s17, $0x12  }
0x38: {  	s18 =	sand.u32 @!p1 $0x4000, s18;
	s16 =	sadd.s32 @!p1 s5, s16;
	s17 =	sor.u32 @!p1 $0x400, s17  }
0x39: {  	[tilespmem:s18], [sflag:$0x1] =	stream.strided.gather @!p1 [hbm4b:s16+s17], $0x4000, s19, s17, $0x38;
	[tilespmem:$0x10100] =	vst v63  }
0x3a: {  	p1 =	sge.u32 s31, s6  }
.Ltmp2:
0x3b: {  	_ = 	snop;
	(pc) =	sbr.rel @p1 .LBB1_5-.Ltmp2, $1  }
0x3c: {  	_ =	sdelay $0x3  }
0x3d: {  	s16 =	simm.s32 $0x1  }
0x3e: {  	_ =	swait.ge [sflag:s4], $0x4000;
	s16 =	simm.s32 @!p0 $0x0  }
0x3f: {  	[sflag:s4] =	ssyncset.done $0x0;
	s17 =	sshll.u32 s16, $0xE  }
0x40: {  	[sflag:s4] =	ssyncadd.s32 $0xFFFFC000;
	s17 =	sor.u32 $0x40, s17  }
0x41: {  	s16 =	smul.u32 $0x10200, s16;
	v0 =	vld [tilespmem:s17+$0x30]  }
0x42: {  	v1 =	vld [tilespmem:s17+$0xFFFFFFD0]  }
0x43: {  	s16 =	sshrl.u32 s16, $0x2;
	v5 =	vld [tilespmem:s17+$0xFFFFFFE0]  }
0x44: {  	v6 =	vld [tilespmem:s17+$0xFFFFFFF0];
	s19 =	sor.u32 $0x8000, s16  }
0x45: {  	s31 =	sand.u32 $0x1, s13;
	v4 =	vld [tilespmem:s17+$0x0];
	s18 =	sadd.s32 $0x0, s19  }
0x46: {  	v3 =	vld [tilespmem:s17+$0x10];
	s16 =	smul.u32 $0x10200, s31;
	[tilespmem:s18+$0x3870 ss:$0x81] =	vst.msk $0xffff, v0  }
0x47: {  	v2 =	vld [tilespmem:s17+$0x20];
	[tilespmem:s18+$0x810 ss:$0x81] =	vst.msk $0xffff, v1  }
0x48: {  	s16 =	sshrl.u32 s16, $0x2;
	v1 =	vld [tilespmem:s17+$0xFFFFFFC0];
	[tilespmem:s18+$0x1020 ss:$0x81] =	vst.msk $0xffff, v5;
	s17 =	sadd.s32 $0x80, s17  }
0x49: {  	s20 =	simm.s32 $0x4;
	s21 =	simm.s32 $0x8;
	s16 =	sor.u32 $0x8000, s16;
	[tilespmem:s18+$0x1830 ss:$0x81] =	vst.msk $0xffff, v6;
	v0 =	vld [tilespmem:s17+$0x30]  }
.LBB1_3:
0x4a: {  	p1 =	sne.s32 s21, $0x1FC;
	v5 =	vld [tilespmem:s17+$0xFFFFFFD0];
	[tilespmem:s18+$0x2040 ss:$0x81] =	vst.msk $0xffff, v4  }
0x4b: {  	v6 =	vld [tilespmem:s17+$0xFFFFFFE0];
	[tilespmem:s18+$0x2850 ss:$0x81] =	vst.msk $0xffff, v3  }
0x4c: {  	s22 =	sshra.s32 s20, $0x2;
	s20 =	smov.u32 s21;
	v7 =	vld [tilespmem:s17+$0xFFFFFFF0];
	[tilespmem:s18+$0x3060 ss:$0x81] =	vst.msk $0xffff, v2  }
.Ltmp3:
0x4d: {  	v4 =	vld [tilespmem:s17+$0x0];
	[tilespmem:s18+$0x0 ss:$0x81] =	vst.msk $0xffff, v1;
	s18 =	sadd.s32 s22, s19;
	(pc) =	sbr.rel @p1 .LBB1_3-.Ltmp3, $4  }
0x4e: {  	v3 =	vld [tilespmem:s17+$0x10];
	[tilespmem:s18+$0x3870 ss:$0x81] =	vst.msk $0xffff, v0  }
0x4f: {  	[tilespmem:s18+$0x810 ss:$0x81] =	vst.msk $0xffff, v5;
	v2 =	vld [tilespmem:s17+$0x20]  }
0x50: {  	v1 =	vld [tilespmem:s17+$0xFFFFFFC0];
	[tilespmem:s18+$0x1020 ss:$0x81] =	vst.msk $0xffff, v6;
	s17 =	sadd.s32 $0x80, s17  }
0x51: {  	s21 =	sadd.s32 $0x4, s21;
	v0 =	vld [tilespmem:s17+$0x30];
	[tilespmem:s18+$0x1830 ss:$0x81] =	vst.msk $0xffff, v7  }
.Ltmp4:
0x52: {  	_ = 	snop;
	(pc) =	sbr.rel .LBB1_4-.Ltmp4, $1  }
0x53: {  	_ =	sdelay $0x3  }
.LBB1_6:
0x54: {  	_ =	sfence.sel $0x180000  }
0x55: {  	s2 =	simm.s32 $0x1;
	[bflag:$0x0] =	sbarrier.arrive $0xFFFF  }
0x56: {  	s31 =	simm.s32 $0x2;
	[sflag:s2] =	ssyncpa.u1 $0x1  }
0x57: {  	[sflag:s31] =	ssyncpa.u1 $0x1  }
0x58: {  	p0 =	sne.s32 s0, $0x0;
	_ =	strace $0x9000004A  }
0x59: {  	s0 =	sadd.s32 @!p0 $0x100000, s1;
	[bflag:$0x2] =	sbarrier.arrive $0xFFFF  }
0x5a: {  	[sflag:s0] =	ssyncadd.tile.s32 @!p0 $0x1;
	_ =	shalt  }
.Lfunc_end1:
_tile_overlayer_lowered:
.L_overlay_start_2:
0x5b: {  	(tag) =	ssettag $0x2  }
0x5c: {  	s0 =	rddreg [dreg:$0x0];
	s2 =	stileid.u32  }
0x5d: {  	s1 =	rddreg [dreg:$0x1];
	p0 =	sne.s32 s2, $0x0  }
0x5e: {  	s3 =	rddreg [dreg:$0x2];
	[bflag:$0x3] =	sbarrier.arrive $0xFFFF;
	s2 =	simm.s32 @!p0 $0x1C01  }
0x5f: {  	[timem:s3], [sflag:s2] =	dma.local @!p0 [hbm:s0], s1  }
0x60: {  	s0 =	simm.s32 @!p0 $0x1  }
0x61: {  	_ =	swait.ge @!p0 [sflag:s0], s1  }
0x62: {  	s1 =	ssub.s32 @!p0 $0x0, s1;
	[sflag:s0] =	ssyncset.done @!p0 $0x0  }
0x63: {  	[sflag:s0] =	ssyncadd.s32 @!p0 s1  }
0x64: {  	[bflag:$0x3] =	sbarrier.arrive $0xFFFF  }
0x65: {  	_ =	shalt  }

</sc_bundles>
